<compile_context>
chip_gen: v7x
topology: tpu7x:2x2x1
jax: 0.10.2.dev20260603
libtpu: 0.0.44.dev20260713+nightly
codegen_flags: <defaults>
</compile_context>

<pallas_src>
import functools

import jax
import jax.numpy as jnp
from jax import lax
from jax.experimental import pallas as pl
from jax.experimental.pallas import tpu as pltpu
from jax.experimental.pallas import tpu_sc as plsc

N_ROWS = 320000
D = 128
S = 10000
NC = 2
NS = 16
DC = D // NC
ROWS_PER_SUB = N_ROWS // NS
SUB = 80
CHUNK = 400
NSUB = CHUNK // SUB
NCHUNK = ROWS_PER_SUB // CHUNK
NBUF = 3
SEG_PER_SUB = S // NS
ZROWS = 125


def kernel(x, molecule_idx):
    idx2d = molecule_idx.reshape(N_ROWS // SUB, SUB)

    mesh = plsc.VectorSubcoreMesh(
        core_axis_name="c", subcore_axis_name="s", num_cores=NC, num_subcores=NS
    )

    @functools.partial(
        pl.kernel,
        out_type=jax.ShapeDtypeStruct((S, D), jnp.float32),
        mesh=mesh,
        scratch_types=[
            pltpu.VMEM((NBUF * NSUB, SUB), jnp.int32),
            pltpu.VMEM((NBUF * CHUNK, DC), jnp.float32),
            pltpu.VMEM((ZROWS, DC), jnp.float32),
            pltpu.VMEM_SHARED((S, DC), jnp.float32),
            pltpu.SemaphoreType.DMA((NBUF,)),
            pltpu.SemaphoreType.DMA((NBUF,)),
            pltpu.SemaphoreType.DMA((2,)),
        ],
        compiler_params=pltpu.CompilerParams(use_tc_tiling_on_sc=False),
    )
    def sc_kernel(x_hbm, idx_hbm, out_hbm, idx_v, x_v, stage_v, acc_sh,
                  xsem, isem, osem):
        cid = lax.axis_index("c")
        sid = lax.axis_index("s")
        seg0 = sid * SEG_PER_SUB
        col0 = cid * DC
        row0 = sid * ROWS_PER_SUB
        irow0 = sid * (ROWS_PER_SUB // SUB)

        def start_load(c, b):
            pltpu.async_copy(
                x_hbm.at[pl.ds(row0 + c * CHUNK, CHUNK), pl.ds(col0, DC)],
                x_v.at[pl.ds(b * CHUNK, CHUNK)], xsem.at[b])
            pltpu.async_copy(
                idx_hbm.at[pl.ds(irow0 + c * NSUB, NSUB), :],
                idx_v.at[pl.ds(b * NSUB, NSUB)], isem.at[b])

        def wait_load(b):
            pltpu.make_async_copy(
                x_hbm.at[pl.ds(0, CHUNK), pl.ds(0, DC)],
                x_v.at[pl.ds(b * CHUNK, CHUNK)], xsem.at[b]).wait()
            pltpu.make_async_copy(
                idx_hbm.at[pl.ds(0, NSUB), :],
                idx_v.at[pl.ds(b * NSUB, NSUB)], isem.at[b]).wait()

        for b in range(NBUF):
            start_load(b, b)

        zv = jnp.zeros((16,), jnp.float32)

        def zero_row(i, carry):
            for j in range(DC // 16):
                stage_v[i, pl.ds(j * 16, 16)] = zv
            return carry

        lax.fori_loop(0, ZROWS, zero_row, 0)
        for k in range(SEG_PER_SUB // ZROWS):
            pltpu.sync_copy(stage_v, acc_sh.at[pl.ds(seg0 + k * ZROWS, ZROWS), :])
        plsc.subcore_barrier()


        def chunk_body(g, carry):
            for b in range(NBUF):
                c = g * NBUF + b
                wait_load(b)
                for j in range(NSUB):
                    pltpu.sync_copy(
                        x_v.at[pl.ds(b * CHUNK + j * SUB, SUB)],
                        acc_sh.at[idx_v.at[b * NSUB + j]], add=True)
                nxt = c + NBUF

                @pl.when(nxt < NCHUNK)
                def _():
                    start_load(nxt, b)
            return carry

        lax.fori_loop(0, (NCHUNK - 2) // NBUF, chunk_body, 0)
        for c, b in ((48, 0), (49, 1)):
            wait_load(b)
            for j in range(NSUB):
                pltpu.sync_copy(x_v.at[pl.ds(b * CHUNK + j * SUB, SUB)],
                                acc_sh.at[idx_v.at[b * NSUB + j]], add=True)
        plsc.subcore_barrier()

        def stg(s):
            return stage_v if s == 0 else x_v.at[pl.ds(0, ZROWS)]

        NK = SEG_PER_SUB // ZROWS
        pltpu.async_copy(acc_sh.at[pl.ds(seg0, ZROWS), :], stg(0), osem.at[0])
        for k in range(NK):
            s = k % 2
            pltpu.make_async_copy(acc_sh.at[pl.ds(seg0, ZROWS), :],
                                  stg(s), osem.at[s]).wait()
            if k + 1 < NK:
                pltpu.async_copy(
                    acc_sh.at[pl.ds(seg0 + (k + 1) * ZROWS, ZROWS), :],
                    stg(1 - s), osem.at[1 - s])
            r = seg0 + k * ZROWS
            pltpu.sync_copy(stg(s), out_hbm.at[pl.ds(r, ZROWS), pl.ds(col0, DC)])

    return sc_kernel(x, idx2d)

# --- scband reference (transcript-rebuilt; emitter-appended) ---
"""Pipeline reference for scband-sum-pooling-5944234737958 (READ-ONLY COPY).

The authoritative reference and input builder live on the scoring server;
editing this copy changes nothing except your own understanding.
"""

import jax, jax.numpy as jnp
import numpy as np

NUM_SEGMENTS = 10000

def setup_inputs(seed: int = 0) -> dict:
    key = jax.random.key(seed)
    k1, k2 = jax.random.split(key)
    x = jax.random.normal(k1, (320000, 128), dtype=jnp.float32)
    molecule_idx = jnp.sort(jax.random.randint(k2, (320000,), 0, NUM_SEGMENTS, dtype=jnp.int64 if jax.config.jax_enable_x64 else jnp.int32)).astype(jnp.int32)
    return {"x": x, "molecule_idx": molecule_idx}

def reference(x, molecule_idx):
    # SumPooling.forward: global_add_pool(x, molecule_idx) == segment sum over molecule ids
    out = jax.ops.segment_sum(x, molecule_idx, num_segments=NUM_SEGMENTS)
    return out

if __name__ == "__main__":
    import jax
    _d = setup_inputs()
    print(jax.jit(kernel)(*tuple(_d.values())))

</pallas_src>

<mosaic_0001>
#map = affine_map<(d0, d1) -> (0, 0)>
module attributes {stable_mosaic.version = 14 : i64} {
  func.func @sc_kernel(%arg0: i32, %arg1: i32, %arg2: memref<320000x128xf32, #tpu.memory_space<hbm>>, %arg3: memref<4000x80xi32, #tpu.memory_space<hbm>>, %arg4: memref<10000x128xf32, #tpu.memory_space<hbm>>, %arg5: memref<15x80xi32, #tpu.memory_space<vmem>>, %arg6: memref<1200x64xf32, #tpu.memory_space<vmem>>, %arg7: memref<125x64xf32, #tpu.memory_space<vmem>>, %arg8: memref<10000x64xf32, #tpu.memory_space<vmem_shared>>, %arg9: memref<3x!tpu.dma_semaphore, #tpu.memory_space<semaphore_mem>>, %arg10: memref<3x!tpu.dma_semaphore, #tpu.memory_space<semaphore_mem>>, %arg11: memref<2x!tpu.dma_semaphore, #tpu.memory_space<semaphore_mem>>) attributes {dimension_semantics = [#tpu.dimension_semantics<core_parallel>, #tpu.dimension_semantics<subcore_parallel>], iteration_bounds = array<i64: 2, 16>, scalar_prefetch = 0 : i64, scratch_operands = 7 : i64, tpu.core_type = #tpu.core_type<sc_vector_subcore>, window_params = [{transform_indices = #map}, {transform_indices = #map}, {transform_indices = #map}]} {
    %mul3A = arith.constant 625 : i32
    %mul3A_0 = arith.muli %arg1, %mul3A : i32
    %mul3A_1 = arith.constant 64 : i32
    %mul3A_2 = arith.muli %arg0, %mul3A_1 : i32
    %mul3A_3 = arith.constant 20000 : i32
    %mul3A_4 = arith.muli %arg1, %mul3A_3 : i32
    %mul3A_5 = arith.constant 250 : i32
    %mul3A_6 = arith.muli %arg1, %mul3A_5 : i32
    %add3A = arith.constant 0 : i32
    %add3A_7 = arith.addi %mul3A_4, %add3A : i32
    %dma_start3A = arith.constant 0 : i32
    %dma_start3A_8 = arith.constant 0 : i32
    %dma_start3A_9 = arith.constant 0 : i32
    %dma_start3A_10 = tpu.memref_slice %arg6[%dma_start3A_8, %dma_start3A_9] : memref<1200x64xf32, #tpu.memory_space<vmem>> -> memref<400x64xf32, #tpu.memory_space<vmem>>
    %dma_start3A_11 = tpu.memref_slice %arg2[%add3A_7, %mul3A_2] : memref<320000x128xf32, #tpu.memory_space<hbm>> -> memref<400x64xf32, #tpu.memory_space<hbm>>
    %dma_start3A_12 = tpu.memref_slice %arg9[%dma_start3A] : memref<3x!tpu.dma_semaphore, #tpu.memory_space<semaphore_mem>> -> memref<1x!tpu.dma_semaphore, #tpu.memory_space<semaphore_mem>>
    %dma_start3A_13 = tpu.memref_squeeze %dma_start3A_12 : memref<1x!tpu.dma_semaphore, #tpu.memory_space<semaphore_mem>> -> memref<!tpu.dma_semaphore, #tpu.memory_space<semaphore_mem>>
    %dma_start3A_14 = arith.constant 0 : i32
    %dma_start3A_15 = arith.constant 0 : i32
    %dma_start3A_16 = tpu.memref_slice %arg6[%dma_start3A_14, %dma_start3A_15] : memref<1200x64xf32, #tpu.memory_space<vmem>> -> memref<400x64xf32, #tpu.memory_space<vmem>>
    %dma_start3A_17 = tpu.memref_slice %arg2[%add3A_7, %mul3A_2] : memref<320000x128xf32, #tpu.memory_space<hbm>> -> memref<400x64xf32, #tpu.memory_space<hbm>>
    tpu.enqueue_dma source(%dma_start3A_17 : memref<400x64xf32, #tpu.memory_space<hbm>>) target(%dma_start3A_16 : memref<400x64xf32, #tpu.memory_space<vmem>>) target_semaphore(%dma_start3A_13 : memref<!tpu.dma_semaphore, #tpu.memory_space<semaphore_mem>>)
    %add3A_18 = arith.constant 0 : i32
    %add3A_19 = arith.addi %mul3A_6, %add3A_18 : i32
    %dma_start3A_20 = arith.constant 0 : i32
    %dma_start3A_21 = arith.constant 0 : i32
    %dma_start3A_22 = arith.constant 0 : i32
    %dma_start3A_23 = tpu.memref_slice %arg5[%dma_start3A_21, %dma_start3A_22] : memref<15x80xi32, #tpu.memory_space<vmem>> -> memref<5x80xi32, #tpu.memory_space<vmem>>
    %dma_start3A_24 = arith.constant 0 : i32
    %dma_start3A_25 = tpu.memref_slice %arg3[%add3A_19, %dma_start3A_24] : memref<4000x80xi32, #tpu.memory_space<hbm>> -> memref<5x80xi32, #tpu.memory_space<hbm>>
    %dma_start3A_26 = tpu.memref_slice %arg10[%dma_start3A_20] : memref<3x!tpu.dma_semaphore, #tpu.memory_space<semaphore_mem>> -> memref<1x!tpu.dma_semaphore, #tpu.memory_space<semaphore_mem>>
    %dma_start3A_27 = tpu.memref_squeeze %dma_start3A_26 : memref<1x!tpu.dma_semaphore, #tpu.memory_space<semaphore_mem>> -> memref<!tpu.dma_semaphore, #tpu.memory_space<semaphore_mem>>
    %dma_start3A_28 = arith.constant 0 : i32
    %dma_start3A_29 = arith.constant 0 : i32
    %dma_start3A_30 = tpu.memref_slice %arg5[%dma_start3A_28, %dma_start3A_29] : memref<15x80xi32, #tpu.memory_space<vmem>> -> memref<5x80xi32, #tpu.memory_space<vmem>>
    %dma_start3A_31 = arith.constant 0 : i32
    %dma_start3A_32 = tpu.memref_slice %arg3[%add3A_19, %dma_start3A_31] : memref<4000x80xi32, #tpu.memory_space<hbm>> -> memref<5x80xi32, #tpu.memory_space<hbm>>
    tpu.enqueue_dma source(%dma_start3A_32 : memref<5x80xi32, #tpu.memory_space<hbm>>) target(%dma_start3A_30 : memref<5x80xi32, #tpu.memory_space<vmem>>) target_semaphore(%dma_start3A_27 : memref<!tpu.dma_semaphore, #tpu.memory_space<semaphore_mem>>)
    %add3A_33 = arith.constant 400 : i32
    %add3A_34 = arith.addi %mul3A_4, %add3A_33 : i32
    %dma_start3A_35 = arith.constant 1 : i32
    %dma_start3A_36 = arith.constant 400 : i32
    %dma_start3A_37 = arith.constant 0 : i32
    %dma_start3A_38 = tpu.memref_slice %arg6[%dma_start3A_36, %dma_start3A_37] : memref<1200x64xf32, #tpu.memory_space<vmem>> -> memref<400x64xf32, #tpu.memory_space<vmem>>
    %dma_start3A_39 = tpu.memref_slice %arg2[%add3A_34, %mul3A_2] : memref<320000x128xf32, #tpu.memory_space<hbm>> -> memref<400x64xf32, #tpu.memory_space<hbm>>
    %dma_start3A_40 = tpu.memref_slice %arg9[%dma_start3A_35] : memref<3x!tpu.dma_semaphore, #tpu.memory_space<semaphore_mem>> -> memref<1x!tpu.dma_semaphore, #tpu.memory_space<semaphore_mem>>
    %dma_start3A_41 = tpu.memref_squeeze %dma_start3A_40 : memref<1x!tpu.dma_semaphore, #tpu.memory_space<semaphore_mem>> -> memref<!tpu.dma_semaphore, #tpu.memory_space<semaphore_mem>>
    %dma_start3A_42 = arith.constant 400 : i32
    %dma_start3A_43 = arith.constant 0 : i32
    %dma_start3A_44 = tpu.memref_slice %arg6[%dma_start3A_42, %dma_start3A_43] : memref<1200x64xf32, #tpu.memory_space<vmem>> -> memref<400x64xf32, #tpu.memory_space<vmem>>
    %dma_start3A_45 = tpu.memref_slice %arg2[%add3A_34, %mul3A_2] : memref<320000x128xf32, #tpu.memory_space<hbm>> -> memref<400x64xf32, #tpu.memory_space<hbm>>
    tpu.enqueue_dma source(%dma_start3A_45 : memref<400x64xf32, #tpu.memory_space<hbm>>) target(%dma_start3A_44 : memref<400x64xf32, #tpu.memory_space<vmem>>) target_semaphore(%dma_start3A_41 : memref<!tpu.dma_semaphore, #tpu.memory_space<semaphore_mem>>)
    %add3A_46 = arith.constant 5 : i32
    %add3A_47 = arith.addi %mul3A_6, %add3A_46 : i32
    %dma_start3A_48 = arith.constant 1 : i32
    %dma_start3A_49 = arith.constant 5 : i32
    %dma_start3A_50 = arith.constant 0 : i32
    %dma_start3A_51 = tpu.memref_slice %arg5[%dma_start3A_49, %dma_start3A_50] : memref<15x80xi32, #tpu.memory_space<vmem>> -> memref<5x80xi32, #tpu.memory_space<vmem>>
    %dma_start3A_52 = arith.constant 0 : i32
    %dma_start3A_53 = tpu.memref_slice %arg3[%add3A_47, %dma_start3A_52] : memref<4000x80xi32, #tpu.memory_space<hbm>> -> memref<5x80xi32, #tpu.memory_space<hbm>>
    %dma_start3A_54 = tpu.memref_slice %arg10[%dma_start3A_48] : memref<3x!tpu.dma_semaphore, #tpu.memory_space<semaphore_mem>> -> memref<1x!tpu.dma_semaphore, #tpu.memory_space<semaphore_mem>>
    %dma_start3A_55 = tpu.memref_squeeze %dma_start3A_54 : memref<1x!tpu.dma_semaphore, #tpu.memory_space<semaphore_mem>> -> memref<!tpu.dma_semaphore, #tpu.memory_space<semaphore_mem>>
    %dma_start3A_56 = arith.constant 5 : i32
    %dma_start3A_57 = arith.constant 0 : i32
    %dma_start3A_58 = tpu.memref_slice %arg5[%dma_start3A_56, %dma_start3A_57] : memref<15x80xi32, #tpu.memory_space<vmem>> -> memref<5x80xi32, #tpu.memory_space<vmem>>
    %dma_start3A_59 = arith.constant 0 : i32
    %dma_start3A_60 = tpu.memref_slice %arg3[%add3A_47, %dma_start3A_59] : memref<4000x80xi32, #tpu.memory_space<hbm>> -> memref<5x80xi32, #tpu.memory_space<hbm>>
    tpu.enqueue_dma source(%dma_start3A_60 : memref<5x80xi32, #tpu.memory_space<hbm>>) target(%dma_start3A_58 : memref<5x80xi32, #tpu.memory_space<vmem>>) target_semaphore(%dma_start3A_55 : memref<!tpu.dma_semaphore, #tpu.memory_space<semaphore_mem>>)
    %add3A_61 = arith.constant 800 : i32
    %add3A_62 = arith.addi %mul3A_4, %add3A_61 : i32
    %dma_start3A_63 = arith.constant 2 : i32
    %dma_start3A_64 = arith.constant 800 : i32
    %dma_start3A_65 = arith.constant 0 : i32
    %dma_start3A_66 = tpu.memref_slice %arg6[%dma_start3A_64, %dma_start3A_65] : memref<1200x64xf32, #tpu.memory_space<vmem>> -> memref<400x64xf32, #tpu.memory_space<vmem>>
    %dma_start3A_67 = tpu.memref_slice %arg2[%add3A_62, %mul3A_2] : memref<320000x128xf32, #tpu.memory_space<hbm>> -> memref<400x64xf32, #tpu.memory_space<hbm>>
    %dma_start3A_68 = tpu.memref_slice %arg9[%dma_start3A_63] : memref<3x!tpu.dma_semaphore, #tpu.memory_space<semaphore_mem>> -> memref<1x!tpu.dma_semaphore, #tpu.memory_space<semaphore_mem>>
    %dma_start3A_69 = tpu.memref_squeeze %dma_start3A_68 : memref<1x!tpu.dma_semaphore, #tpu.memory_space<semaphore_mem>> -> memref<!tpu.dma_semaphore, #tpu.memory_space<semaphore_mem>>
    %dma_start3A_70 = arith.constant 800 : i32
    %dma_start3A_71 = arith.constant 0 : i32
    %dma_start3A_72 = tpu.memref_slice %arg6[%dma_start3A_70, %dma_start3A_71] : memref<1200x64xf32, #tpu.memory_space<vmem>> -> memref<400x64xf32, #tpu.memory_space<vmem>>
    %dma_start3A_73 = tpu.memref_slice %arg2[%add3A_62, %mul3A_2] : memref<320000x128xf32, #tpu.memory_space<hbm>> -> memref<400x64xf32, #tpu.memory_space<hbm>>
    tpu.enqueue_dma source(%dma_start3A_73 : memref<400x64xf32, #tpu.memory_space<hbm>>) target(%dma_start3A_72 : memref<400x64xf32, #tpu.memory_space<vmem>>) target_semaphore(%dma_start3A_69 : memref<!tpu.dma_semaphore, #tpu.memory_space<semaphore_mem>>)
    %add3A_74 = arith.constant 10 : i32
    %add3A_75 = arith.addi %mul3A_6, %add3A_74 : i32
    %dma_start3A_76 = arith.constant 2 : i32
    %dma_start3A_77 = arith.constant 10 : i32
    %dma_start3A_78 = arith.constant 0 : i32
    %dma_start3A_79 = tpu.memref_slice %arg5[%dma_start3A_77, %dma_start3A_78] : memref<15x80xi32, #tpu.memory_space<vmem>> -> memref<5x80xi32, #tpu.memory_space<vmem>>
    %dma_start3A_80 = arith.constant 0 : i32
    %dma_start3A_81 = tpu.memref_slice %arg3[%add3A_75, %dma_start3A_80] : memref<4000x80xi32, #tpu.memory_space<hbm>> -> memref<5x80xi32, #tpu.memory_space<hbm>>
    %dma_start3A_82 = tpu.memref_slice %arg10[%dma_start3A_76] : memref<3x!tpu.dma_semaphore, #tpu.memory_space<semaphore_mem>> -> memref<1x!tpu.dma_semaphore, #tpu.memory_space<semaphore_mem>>
    %dma_start3A_83 = tpu.memref_squeeze %dma_start3A_82 : memref<1x!tpu.dma_semaphore, #tpu.memory_space<semaphore_mem>> -> memref<!tpu.dma_semaphore, #tpu.memory_space<semaphore_mem>>
    %dma_start3A_84 = arith.constant 10 : i32
    %dma_start3A_85 = arith.constant 0 : i32
    %dma_start3A_86 = tpu.memref_slice %arg5[%dma_start3A_84, %dma_start3A_85] : memref<15x80xi32, #tpu.memory_space<vmem>> -> memref<5x80xi32, #tpu.memory_space<vmem>>
    %dma_start3A_87 = arith.constant 0 : i32
    %dma_start3A_88 = tpu.memref_slice %arg3[%add3A_75, %dma_start3A_87] : memref<4000x80xi32, #tpu.memory_space<hbm>> -> memref<5x80xi32, #tpu.memory_space<hbm>>
    tpu.enqueue_dma source(%dma_start3A_88 : memref<5x80xi32, #tpu.memory_space<hbm>>) target(%dma_start3A_86 : memref<5x80xi32, #tpu.memory_space<vmem>>) target_semaphore(%dma_start3A_83 : memref<!tpu.dma_semaphore, #tpu.memory_space<semaphore_mem>>)
    %broadcast_in_dim3A = arith.constant 0.000000e+00 : f32
    %broadcast_in_dim3A_89 = vector.broadcast %broadcast_in_dim3A : f32 to vector<16xf32>
    %scan3A = arith.constant 0 : i32
    %scan3A_90 = arith.constant 0 : i32
    %scan3A_91 = arith.constant 125 : i32
    %scan3A_92 = arith.addi %scan3A_90, %scan3A_91 : i32
    %scan3A_93 = arith.constant 1 : i32
    scf.for %scan3A_292 = %scan3A_90 to %scan3A_92 step %scan3A_93  : i32 {
      %swap3A = arith.index_cast %scan3A_292 : i32 to index
      %swap3A_293 = arith.constant 0 : index
      %swap3A_294 = tpu.vector_load %arg7[%swap3A, %swap3A_293] {strides = array<i32>} : memref<125x64xf32, #tpu.memory_space<vmem>>, vector<1x16xf32>,
      %swap3A_295 = vector.shape_cast %swap3A_294 : vector<1x16xf32> to vector<16xf32>
      %swap3A_296 = vector.shape_cast %broadcast_in_dim3A_89 : vector<16xf32> to vector<1x16xf32>
      tpu.vector_store %arg7[%swap3A, %swap3A_293], %swap3A_296 {strides = array<i32>} : memref<125x64xf32, #tpu.memory_space<vmem>>, vector<1x16xf32>,
      %swap3A_297 = arith.index_cast %scan3A_292 : i32 to index
      %swap3A_298 = arith.constant 16 : index
      %swap3A_299 = tpu.vector_load %arg7[%swap3A_297, %swap3A_298] {strides = array<i32>} : memref<125x64xf32, #tpu.memory_space<vmem>>, vector<1x16xf32>,
      %swap3A_300 = vector.shape_cast %swap3A_299 : vector<1x16xf32> to vector<16xf32>
      %swap3A_301 = vector.shape_cast %broadcast_in_dim3A_89 : vector<16xf32> to vector<1x16xf32>
      tpu.vector_store %arg7[%swap3A_297, %swap3A_298], %swap3A_301 {strides = array<i32>} : memref<125x64xf32, #tpu.memory_space<vmem>>, vector<1x16xf32>,
      %swap3A_302 = arith.index_cast %scan3A_292 : i32 to index
      %swap3A_303 = arith.constant 32 : index
      %swap3A_304 = tpu.vector_load %arg7[%swap3A_302, %swap3A_303] {strides = array<i32>} : memref<125x64xf32, #tpu.memory_space<vmem>>, vector<1x16xf32>,
      %swap3A_305 = vector.shape_cast %swap3A_304 : vector<1x16xf32> to vector<16xf32>
      %swap3A_306 = vector.shape_cast %broadcast_in_dim3A_89 : vector<16xf32> to vector<1x16xf32>
      tpu.vector_store %arg7[%swap3A_302, %swap3A_303], %swap3A_306 {strides = array<i32>} : memref<125x64xf32, #tpu.memory_space<vmem>>, vector<1x16xf32>,
      %swap3A_307 = arith.index_cast %scan3A_292 : i32 to index
      %swap3A_308 = arith.constant 48 : index
      %swap3A_309 = tpu.vector_load %arg7[%swap3A_307, %swap3A_308] {strides = array<i32>} : memref<125x64xf32, #tpu.memory_space<vmem>>, vector<1x16xf32>,
      %swap3A_310 = vector.shape_cast %swap3A_309 : vector<1x16xf32> to vector<16xf32>
      %swap3A_311 = vector.shape_cast %broadcast_in_dim3A_89 : vector<16xf32> to vector<1x16xf32>
      tpu.vector_store %arg7[%swap3A_307, %swap3A_308], %swap3A_311 {strides = array<i32>} : memref<125x64xf32, #tpu.memory_space<vmem>>, vector<1x16xf32>,
    }
    %scan3A_94 = arith.constant 125 : i32
    %add3A_95 = arith.constant 0 : i32
    %add3A_96 = arith.addi %mul3A_0, %add3A_95 : i32
    "tpu.region"() ({
      %run_scoped3A_292 = tpu.sem_alloc : memref<!tpu.dma_semaphore, #tpu.memory_space<semaphore_mem>>
      %dma_start3A_293 = arith.constant 0 : i32
      %dma_start3A_294 = tpu.memref_slice %arg8[%add3A_96, %dma_start3A_293] : memref<10000x64xf32, #tpu.memory_space<vmem_shared>> -> memref<125x64xf32, #tpu.memory_space<vmem_shared>>
      %dma_start3A_295 = arith.constant 0 : i32
      %dma_start3A_296 = tpu.memref_slice %arg8[%add3A_96, %dma_start3A_295] : memref<10000x64xf32, #tpu.memory_space<vmem_shared>> -> memref<125x64xf32, #tpu.memory_space<vmem_shared>>
      tpu.enqueue_dma source(%arg7 : memref<125x64xf32, #tpu.memory_space<vmem>>) target(%dma_start3A_296 : memref<125x64xf32, #tpu.memory_space<vmem_shared>>) target_semaphore(%run_scoped3A_292 : memref<!tpu.dma_semaphore, #tpu.memory_space<semaphore_mem>>)
      %dma_wait3A_297 = arith.constant 0 : i32
      %dma_wait3A_298 = tpu.memref_slice %arg8[%add3A_96, %dma_wait3A_297] : memref<10000x64xf32, #tpu.memory_space<vmem_shared>> -> memref<125x64xf32, #tpu.memory_space<vmem_shared>>
      %dma_wait3A_299 = arith.constant 0 : i32
      %dma_wait3A_300 = tpu.memref_slice %arg8[%add3A_96, %dma_wait3A_299] : memref<10000x64xf32, #tpu.memory_space<vmem_shared>> -> memref<125x64xf32, #tpu.memory_space<vmem_shared>>
      tpu.wait_dma2 semaphore(%run_scoped3A_292 : memref<!tpu.dma_semaphore, #tpu.memory_space<semaphore_mem>>) src(%arg7 : memref<125x64xf32, #tpu.memory_space<vmem>>) dst(%dma_wait3A_300 : memref<125x64xf32, #tpu.memory_space<vmem_shared>>)
      tpu.yield
    }) : () -> ()
    %add3A_97 = arith.constant 125 : i32
    %add3A_98 = arith.addi %mul3A_0, %add3A_97 : i32
    "tpu.region"() ({
      %run_scoped3A_292 = tpu.sem_alloc : memref<!tpu.dma_semaphore, #tpu.memory_space<semaphore_mem>>
      %dma_start3A_293 = arith.constant 0 : i32
      %dma_start3A_294 = tpu.memref_slice %arg8[%add3A_98, %dma_start3A_293] : memref<10000x64xf32, #tpu.memory_space<vmem_shared>> -> memref<125x64xf32, #tpu.memory_space<vmem_shared>>
      %dma_start3A_295 = arith.constant 0 : i32
      %dma_start3A_296 = tpu.memref_slice %arg8[%add3A_98, %dma_start3A_295] : memref<10000x64xf32, #tpu.memory_space<vmem_shared>> -> memref<125x64xf32, #tpu.memory_space<vmem_shared>>
      tpu.enqueue_dma source(%arg7 : memref<125x64xf32, #tpu.memory_space<vmem>>) target(%dma_start3A_296 : memref<125x64xf32, #tpu.memory_space<vmem_shared>>) target_semaphore(%run_scoped3A_292 : memref<!tpu.dma_semaphore, #tpu.memory_space<semaphore_mem>>)
      %dma_wait3A_297 = arith.constant 0 : i32
      %dma_wait3A_298 = tpu.memref_slice %arg8[%add3A_98, %dma_wait3A_297] : memref<10000x64xf32, #tpu.memory_space<vmem_shared>> -> memref<125x64xf32, #tpu.memory_space<vmem_shared>>
      %dma_wait3A_299 = arith.constant 0 : i32
      %dma_wait3A_300 = tpu.memref_slice %arg8[%add3A_98, %dma_wait3A_299] : memref<10000x64xf32, #tpu.memory_space<vmem_shared>> -> memref<125x64xf32, #tpu.memory_space<vmem_shared>>
      tpu.wait_dma2 semaphore(%run_scoped3A_292 : memref<!tpu.dma_semaphore, #tpu.memory_space<semaphore_mem>>) src(%arg7 : memref<125x64xf32, #tpu.memory_space<vmem>>) dst(%dma_wait3A_300 : memref<125x64xf32, #tpu.memory_space<vmem_shared>>)
      tpu.yield
    }) : () -> ()
    %add3A_99 = arith.constant 250 : i32
    %add3A_100 = arith.addi %mul3A_0, %add3A_99 : i32
    "tpu.region"() ({
      %run_scoped3A_292 = tpu.sem_alloc : memref<!tpu.dma_semaphore, #tpu.memory_space<semaphore_mem>>
      %dma_start3A_293 = arith.constant 0 : i32
      %dma_start3A_294 = tpu.memref_slice %arg8[%add3A_100, %dma_start3A_293] : memref<10000x64xf32, #tpu.memory_space<vmem_shared>> -> memref<125x64xf32, #tpu.memory_space<vmem_shared>>
      %dma_start3A_295 = arith.constant 0 : i32
      %dma_start3A_296 = tpu.memref_slice %arg8[%add3A_100, %dma_start3A_295] : memref<10000x64xf32, #tpu.memory_space<vmem_shared>> -> memref<125x64xf32, #tpu.memory_space<vmem_shared>>
      tpu.enqueue_dma source(%arg7 : memref<125x64xf32, #tpu.memory_space<vmem>>) target(%dma_start3A_296 : memref<125x64xf32, #tpu.memory_space<vmem_shared>>) target_semaphore(%run_scoped3A_292 : memref<!tpu.dma_semaphore, #tpu.memory_space<semaphore_mem>>)
      %dma_wait3A_297 = arith.constant 0 : i32
      %dma_wait3A_298 = tpu.memref_slice %arg8[%add3A_100, %dma_wait3A_297] : memref<10000x64xf32, #tpu.memory_space<vmem_shared>> -> memref<125x64xf32, #tpu.memory_space<vmem_shared>>
      %dma_wait3A_299 = arith.constant 0 : i32
      %dma_wait3A_300 = tpu.memref_slice %arg8[%add3A_100, %dma_wait3A_299] : memref<10000x64xf32, #tpu.memory_space<vmem_shared>> -> memref<125x64xf32, #tpu.memory_space<vmem_shared>>
      tpu.wait_dma2 semaphore(%run_scoped3A_292 : memref<!tpu.dma_semaphore, #tpu.memory_space<semaphore_mem>>) src(%arg7 : memref<125x64xf32, #tpu.memory_space<vmem>>) dst(%dma_wait3A_300 : memref<125x64xf32, #tpu.memory_space<vmem_shared>>)
      tpu.yield
    }) : () -> ()
    %add3A_101 = arith.constant 375 : i32
    %add3A_102 = arith.addi %mul3A_0, %add3A_101 : i32
    "tpu.region"() ({
      %run_scoped3A_292 = tpu.sem_alloc : memref<!tpu.dma_semaphore, #tpu.memory_space<semaphore_mem>>
      %dma_start3A_293 = arith.constant 0 : i32
      %dma_start3A_294 = tpu.memref_slice %arg8[%add3A_102, %dma_start3A_293] : memref<10000x64xf32, #tpu.memory_space<vmem_shared>> -> memref<125x64xf32, #tpu.memory_space<vmem_shared>>
      %dma_start3A_295 = arith.constant 0 : i32
      %dma_start3A_296 = tpu.memref_slice %arg8[%add3A_102, %dma_start3A_295] : memref<10000x64xf32, #tpu.memory_space<vmem_shared>> -> memref<125x64xf32, #tpu.memory_space<vmem_shared>>
      tpu.enqueue_dma source(%arg7 : memref<125x64xf32, #tpu.memory_space<vmem>>) target(%dma_start3A_296 : memref<125x64xf32, #tpu.memory_space<vmem_shared>>) target_semaphore(%run_scoped3A_292 : memref<!tpu.dma_semaphore, #tpu.memory_space<semaphore_mem>>)
      %dma_wait3A_297 = arith.constant 0 : i32
      %dma_wait3A_298 = tpu.memref_slice %arg8[%add3A_102, %dma_wait3A_297] : memref<10000x64xf32, #tpu.memory_space<vmem_shared>> -> memref<125x64xf32, #tpu.memory_space<vmem_shared>>
      %dma_wait3A_299 = arith.constant 0 : i32
      %dma_wait3A_300 = tpu.memref_slice %arg8[%add3A_102, %dma_wait3A_299] : memref<10000x64xf32, #tpu.memory_space<vmem_shared>> -> memref<125x64xf32, #tpu.memory_space<vmem_shared>>
      tpu.wait_dma2 semaphore(%run_scoped3A_292 : memref<!tpu.dma_semaphore, #tpu.memory_space<semaphore_mem>>) src(%arg7 : memref<125x64xf32, #tpu.memory_space<vmem>>) dst(%dma_wait3A_300 : memref<125x64xf32, #tpu.memory_space<vmem_shared>>)
      tpu.yield
    }) : () -> ()
    %add3A_103 = arith.constant 500 : i32
    %add3A_104 = arith.addi %mul3A_0, %add3A_103 : i32
    "tpu.region"() ({
      %run_scoped3A_292 = tpu.sem_alloc : memref<!tpu.dma_semaphore, #tpu.memory_space<semaphore_mem>>
      %dma_start3A_293 = arith.constant 0 : i32
      %dma_start3A_294 = tpu.memref_slice %arg8[%add3A_104, %dma_start3A_293] : memref<10000x64xf32, #tpu.memory_space<vmem_shared>> -> memref<125x64xf32, #tpu.memory_space<vmem_shared>>
      %dma_start3A_295 = arith.constant 0 : i32
      %dma_start3A_296 = tpu.memref_slice %arg8[%add3A_104, %dma_start3A_295] : memref<10000x64xf32, #tpu.memory_space<vmem_shared>> -> memref<125x64xf32, #tpu.memory_space<vmem_shared>>
      tpu.enqueue_dma source(%arg7 : memref<125x64xf32, #tpu.memory_space<vmem>>) target(%dma_start3A_296 : memref<125x64xf32, #tpu.memory_space<vmem_shared>>) target_semaphore(%run_scoped3A_292 : memref<!tpu.dma_semaphore, #tpu.memory_space<semaphore_mem>>)
      %dma_wait3A_297 = arith.constant 0 : i32
      %dma_wait3A_298 = tpu.memref_slice %arg8[%add3A_104, %dma_wait3A_297] : memref<10000x64xf32, #tpu.memory_space<vmem_shared>> -> memref<125x64xf32, #tpu.memory_space<vmem_shared>>
      %dma_wait3A_299 = arith.constant 0 : i32
      %dma_wait3A_300 = tpu.memref_slice %arg8[%add3A_104, %dma_wait3A_299] : memref<10000x64xf32, #tpu.memory_space<vmem_shared>> -> memref<125x64xf32, #tpu.memory_space<vmem_shared>>
      tpu.wait_dma2 semaphore(%run_scoped3A_292 : memref<!tpu.dma_semaphore, #tpu.memory_space<semaphore_mem>>) src(%arg7 : memref<125x64xf32, #tpu.memory_space<vmem>>) dst(%dma_wait3A_300 : memref<125x64xf32, #tpu.memory_space<vmem_shared>>)
      tpu.yield
    }) : () -> ()
    %barrier3A = arith.constant 0 : index
    tpu.barrier barrier_id(%barrier3A)
    %scan3A_105 = arith.constant 0 : i32
    %scan3A_106 = arith.constant 0 : i32
    %scan3A_107 = arith.constant 16 : i32
    %scan3A_108 = arith.addi %scan3A_106, %scan3A_107 : i32
    %scan3A_109 = arith.constant 1 : i32
    scf.for %scan3A_292 = %scan3A_106 to %scan3A_108 step %scan3A_109  : i32 {
      %mul3A_293 = arith.constant 3 : i32
      %mul3A_294 = arith.muli %scan3A_292, %mul3A_293 : i32
      %add3A_295 = arith.constant 0 : i32
      %add3A_296 = arith.addi %mul3A_294, %add3A_295 : i32
      %dma_wait3A_297 = arith.constant 0 : i32
      %dma_wait3A_298 = arith.constant 0 : i32
      %dma_wait3A_299 = arith.constant 0 : i32
      %dma_wait3A_300 = tpu.memref_slice %arg6[%dma_wait3A_298, %dma_wait3A_299] : memref<1200x64xf32, #tpu.memory_space<vmem>> -> memref<400x64xf32, #tpu.memory_space<vmem>>
      %dma_wait3A_301 = arith.constant 0 : i32
      %dma_wait3A_302 = arith.constant 0 : i32
      %dma_wait3A_303 = tpu.memref_slice %arg2[%dma_wait3A_301, %dma_wait3A_302] : memref<320000x128xf32, #tpu.memory_space<hbm>> -> memref<400x64xf32, #tpu.memory_space<hbm>>
      %dma_wait3A_304 = tpu.memref_slice %arg9[%dma_wait3A_297] : memref<3x!tpu.dma_semaphore, #tpu.memory_space<semaphore_mem>> -> memref<1x!tpu.dma_semaphore, #tpu.memory_space<semaphore_mem>>
      %dma_wait3A_305 = tpu.memref_squeeze %dma_wait3A_304 : memref<1x!tpu.dma_semaphore, #tpu.memory_space<semaphore_mem>> -> memref<!tpu.dma_semaphore, #tpu.memory_space<semaphore_mem>>
      %dma_wait3A_306 = arith.constant 0 : i32
      %dma_wait3A_307 = arith.constant 0 : i32
      %dma_wait3A_308 = tpu.memref_slice %arg6[%dma_wait3A_306, %dma_wait3A_307] : memref<1200x64xf32, #tpu.memory_space<vmem>> -> memref<400x64xf32, #tpu.memory_space<vmem>>
      %dma_wait3A_309 = arith.constant 0 : i32
      %dma_wait3A_310 = arith.constant 0 : i32
      %dma_wait3A_311 = tpu.memref_slice %arg2[%dma_wait3A_309, %dma_wait3A_310] : memref<320000x128xf32, #tpu.memory_space<hbm>> -> memref<400x64xf32, #tpu.memory_space<hbm>>
      tpu.wait_dma2 semaphore(%dma_wait3A_305 : memref<!tpu.dma_semaphore, #tpu.memory_space<semaphore_mem>>) src(%dma_wait3A_311 : memref<400x64xf32, #tpu.memory_space<hbm>>) dst(%dma_wait3A_308 : memref<400x64xf32, #tpu.memory_space<vmem>>)
      %dma_wait3A_312 = arith.constant 0 : i32
      %dma_wait3A_313 = arith.constant 0 : i32
      %dma_wait3A_314 = arith.constant 0 : i32
      %dma_wait3A_315 = tpu.memref_slice %arg5[%dma_wait3A_313, %dma_wait3A_314] : memref<15x80xi32, #tpu.memory_space<vmem>> -> memref<5x80xi32, #tpu.memory_space<vmem>>
      %dma_wait3A_316 = arith.constant 0 : i32
      %dma_wait3A_317 = arith.constant 0 : i32
      %dma_wait3A_318 = tpu.memref_slice %arg3[%dma_wait3A_316, %dma_wait3A_317] : memref<4000x80xi32, #tpu.memory_space<hbm>> -> memref<5x80xi32, #tpu.memory_space<hbm>>
      %dma_wait3A_319 = tpu.memref_slice %arg10[%dma_wait3A_312] : memref<3x!tpu.dma_semaphore, #tpu.memory_space<semaphore_mem>> -> memref<1x!tpu.dma_semaphore, #tpu.memory_space<semaphore_mem>>
      %dma_wait3A_320 = tpu.memref_squeeze %dma_wait3A_319 : memref<1x!tpu.dma_semaphore, #tpu.memory_space<semaphore_mem>> -> memref<!tpu.dma_semaphore, #tpu.memory_space<semaphore_mem>>
      %dma_wait3A_321 = arith.constant 0 : i32
      %dma_wait3A_322 = arith.constant 0 : i32
      %dma_wait3A_323 = tpu.memref_slice %arg5[%dma_wait3A_321, %dma_wait3A_322] : memref<15x80xi32, #tpu.memory_space<vmem>> -> memref<5x80xi32, #tpu.memory_space<vmem>>
      %dma_wait3A_324 = arith.constant 0 : i32
      %dma_wait3A_325 = arith.constant 0 : i32
      %dma_wait3A_326 = tpu.memref_slice %arg3[%dma_wait3A_324, %dma_wait3A_325] : memref<4000x80xi32, #tpu.memory_space<hbm>> -> memref<5x80xi32, #tpu.memory_space<hbm>>
      tpu.wait_dma2 semaphore(%dma_wait3A_320 : memref<!tpu.dma_semaphore, #tpu.memory_space<semaphore_mem>>) src(%dma_wait3A_326 : memref<5x80xi32, #tpu.memory_space<hbm>>) dst(%dma_wait3A_323 : memref<5x80xi32, #tpu.memory_space<vmem>>)
      %run_scoped3A_327 = arith.constant 0 : i32
      "tpu.region"() ({
        %run_scoped3A_428 = tpu.sem_alloc : memref<!tpu.dma_semaphore, #tpu.memory_space<semaphore_mem>>
        %dma_start3A_429 = arith.constant 0 : i32
        %dma_start3A_430 = arith.constant 0 : i32
        %dma_start3A_431 = tpu.memref_slice %arg6[%dma_start3A_429, %dma_start3A_430] : memref<1200x64xf32, #tpu.memory_space<vmem>> -> memref<80x64xf32, #tpu.memory_space<vmem>>
        %dma_start3A_432 = arith.constant 0 : i32
        %dma_start3A_433 = tpu.memref_slice %arg5[%run_scoped3A_327, %dma_start3A_432] : memref<15x80xi32, #tpu.memory_space<vmem>> -> memref<1x80xi32, #tpu.memory_space<vmem>>
        %dma_start3A_434 = tpu.memref_squeeze %dma_start3A_433 : memref<1x80xi32, #tpu.memory_space<vmem>> -> memref<80xi32, #tpu.memory_space<vmem>>
        %dma_start3A_435 = arith.constant 0 : i32
        %dma_start3A_436 = arith.constant 0 : i32
        %dma_start3A_437 = tpu.memref_slice %arg8[%dma_start3A_435, %dma_start3A_436] : memref<10000x64xf32, #tpu.memory_space<vmem_shared>> -> memref<10000x64xf32, #tpu.memory_space<vmem_shared>>
        tpu.enqueue_indirect_dma source(%dma_start3A_431 : memref<80x64xf32, #tpu.memory_space<vmem>>) target(%dma_start3A_437 : memref<10000x64xf32, #tpu.memory_space<vmem_shared>>) offsets(%dma_start3A_434 : memref<80xi32, #tpu.memory_space<vmem>>) semaphore(%run_scoped3A_428 : memref<!tpu.dma_semaphore, #tpu.memory_space<semaphore_mem>>) {add = true}
        %dma_wait3A_438 = arith.constant 0 : i32
        %dma_wait3A_439 = arith.constant 0 : i32
        %dma_wait3A_440 = tpu.memref_slice %arg6[%dma_wait3A_438, %dma_wait3A_439] : memref<1200x64xf32, #tpu.memory_space<vmem>> -> memref<80x64xf32, #tpu.memory_space<vmem>>
        %dma_wait3A_441 = arith.constant 0 : i32
        %dma_wait3A_442 = tpu.memref_slice %arg5[%run_scoped3A_327, %dma_wait3A_441] : memref<15x80xi32, #tpu.memory_space<vmem>> -> memref<1x80xi32, #tpu.memory_space<vmem>>
        %dma_wait3A_443 = tpu.memref_squeeze %dma_wait3A_442 : memref<1x80xi32, #tpu.memory_space<vmem>> -> memref<80xi32, #tpu.memory_space<vmem>>
        %dma_wait3A_444 = arith.constant 0 : i32
        %dma_wait3A_445 = arith.constant 0 : i32
        %dma_wait3A_446 = tpu.memref_slice %arg8[%dma_wait3A_444, %dma_wait3A_445] : memref<10000x64xf32, #tpu.memory_space<vmem_shared>> -> memref<10000x64xf32, #tpu.memory_space<vmem_shared>>
        tpu.wait_indirect_dma semaphore(%run_scoped3A_428 : memref<!tpu.dma_semaphore, #tpu.memory_space<semaphore_mem>>) src(%dma_wait3A_440 : memref<80x64xf32, #tpu.memory_space<vmem>>) dst(%dma_wait3A_446 : memref<10000x64xf32, #tpu.memory_space<vmem_shared>>)
        tpu.yield
      }) : () -> ()
      %run_scoped3A_328 = arith.constant 1 : i32
      "tpu.region"() ({
        %run_scoped3A_428 = tpu.sem_alloc : memref<!tpu.dma_semaphore, #tpu.memory_space<semaphore_mem>>
        %dma_start3A_429 = arith.constant 80 : i32
        %dma_start3A_430 = arith.constant 0 : i32
        %dma_start3A_431 = tpu.memref_slice %arg6[%dma_start3A_429, %dma_start3A_430] : memref<1200x64xf32, #tpu.memory_space<vmem>> -> memref<80x64xf32, #tpu.memory_space<vmem>>
        %dma_start3A_432 = arith.constant 0 : i32
        %dma_start3A_433 = tpu.memref_slice %arg5[%run_scoped3A_328, %dma_start3A_432] : memref<15x80xi32, #tpu.memory_space<vmem>> -> memref<1x80xi32, #tpu.memory_space<vmem>>
        %dma_start3A_434 = tpu.memref_squeeze %dma_start3A_433 : memref<1x80xi32, #tpu.memory_space<vmem>> -> memref<80xi32, #tpu.memory_space<vmem>>
        %dma_start3A_435 = arith.constant 0 : i32
        %dma_start3A_436 = arith.constant 0 : i32
        %dma_start3A_437 = tpu.memref_slice %arg8[%dma_start3A_435, %dma_start3A_436] : memref<10000x64xf32, #tpu.memory_space<vmem_shared>> -> memref<10000x64xf32, #tpu.memory_space<vmem_shared>>
        tpu.enqueue_indirect_dma source(%dma_start3A_431 : memref<80x64xf32, #tpu.memory_space<vmem>>) target(%dma_start3A_437 : memref<10000x64xf32, #tpu.memory_space<vmem_shared>>) offsets(%dma_start3A_434 : memref<80xi32, #tpu.memory_space<vmem>>) semaphore(%run_scoped3A_428 : memref<!tpu.dma_semaphore, #tpu.memory_space<semaphore_mem>>) {add = true}
        %dma_wait3A_438 = arith.constant 80 : i32
        %dma_wait3A_439 = arith.constant 0 : i32
        %dma_wait3A_440 = tpu.memref_slice %arg6[%dma_wait3A_438, %dma_wait3A_439] : memref<1200x64xf32, #tpu.memory_space<vmem>> -> memref<80x64xf32, #tpu.memory_space<vmem>>
        %dma_wait3A_441 = arith.constant 0 : i32
        %dma_wait3A_442 = tpu.memref_slice %arg5[%run_scoped3A_328, %dma_wait3A_441] : memref<15x80xi32, #tpu.memory_space<vmem>> -> memref<1x80xi32, #tpu.memory_space<vmem>>
        %dma_wait3A_443 = tpu.memref_squeeze %dma_wait3A_442 : memref<1x80xi32, #tpu.memory_space<vmem>> -> memref<80xi32, #tpu.memory_space<vmem>>
        %dma_wait3A_444 = arith.constant 0 : i32
        %dma_wait3A_445 = arith.constant 0 : i32
        %dma_wait3A_446 = tpu.memref_slice %arg8[%dma_wait3A_444, %dma_wait3A_445] : memref<10000x64xf32, #tpu.memory_space<vmem_shared>> -> memref<10000x64xf32, #tpu.memory_space<vmem_shared>>
        tpu.wait_indirect_dma semaphore(%run_scoped3A_428 : memref<!tpu.dma_semaphore, #tpu.memory_space<semaphore_mem>>) src(%dma_wait3A_440 : memref<80x64xf32, #tpu.memory_space<vmem>>) dst(%dma_wait3A_446 : memref<10000x64xf32, #tpu.memory_space<vmem_shared>>)
        tpu.yield
      }) : () -> ()
      %run_scoped3A_329 = arith.constant 2 : i32
      "tpu.region"() ({
        %run_scoped3A_428 = tpu.sem_alloc : memref<!tpu.dma_semaphore, #tpu.memory_space<semaphore_mem>>
        %dma_start3A_429 = arith.constant 160 : i32
        %dma_start3A_430 = arith.constant 0 : i32
        %dma_start3A_431 = tpu.memref_slice %arg6[%dma_start3A_429, %dma_start3A_430] : memref<1200x64xf32, #tpu.memory_space<vmem>> -> memref<80x64xf32, #tpu.memory_space<vmem>>
        %dma_start3A_432 = arith.constant 0 : i32
        %dma_start3A_433 = tpu.memref_slice %arg5[%run_scoped3A_329, %dma_start3A_432] : memref<15x80xi32, #tpu.memory_space<vmem>> -> memref<1x80xi32, #tpu.memory_space<vmem>>
        %dma_start3A_434 = tpu.memref_squeeze %dma_start3A_433 : memref<1x80xi32, #tpu.memory_space<vmem>> -> memref<80xi32, #tpu.memory_space<vmem>>
        %dma_start3A_435 = arith.constant 0 : i32
        %dma_start3A_436 = arith.constant 0 : i32
        %dma_start3A_437 = tpu.memref_slice %arg8[%dma_start3A_435, %dma_start3A_436] : memref<10000x64xf32, #tpu.memory_space<vmem_shared>> -> memref<10000x64xf32, #tpu.memory_space<vmem_shared>>
        tpu.enqueue_indirect_dma source(%dma_start3A_431 : memref<80x64xf32, #tpu.memory_space<vmem>>) target(%dma_start3A_437 : memref<10000x64xf32, #tpu.memory_space<vmem_shared>>) offsets(%dma_start3A_434 : memref<80xi32, #tpu.memory_space<vmem>>) semaphore(%run_scoped3A_428 : memref<!tpu.dma_semaphore, #tpu.memory_space<semaphore_mem>>) {add = true}
        %dma_wait3A_438 = arith.constant 160 : i32
        %dma_wait3A_439 = arith.constant 0 : i32
        %dma_wait3A_440 = tpu.memref_slice %arg6[%dma_wait3A_438, %dma_wait3A_439] : memref<1200x64xf32, #tpu.memory_space<vmem>> -> memref<80x64xf32, #tpu.memory_space<vmem>>
        %dma_wait3A_441 = arith.constant 0 : i32
        %dma_wait3A_442 = tpu.memref_slice %arg5[%run_scoped3A_329, %dma_wait3A_441] : memref<15x80xi32, #tpu.memory_space<vmem>> -> memref<1x80xi32, #tpu.memory_space<vmem>>
        %dma_wait3A_443 = tpu.memref_squeeze %dma_wait3A_442 : memref<1x80xi32, #tpu.memory_space<vmem>> -> memref<80xi32, #tpu.memory_space<vmem>>
        %dma_wait3A_444 = arith.constant 0 : i32
        %dma_wait3A_445 = arith.constant 0 : i32
        %dma_wait3A_446 = tpu.memref_slice %arg8[%dma_wait3A_444, %dma_wait3A_445] : memref<10000x64xf32, #tpu.memory_space<vmem_shared>> -> memref<10000x64xf32, #tpu.memory_space<vmem_shared>>
        tpu.wait_indirect_dma semaphore(%run_scoped3A_428 : memref<!tpu.dma_semaphore, #tpu.memory_space<semaphore_mem>>) src(%dma_wait3A_440 : memref<80x64xf32, #tpu.memory_space<vmem>>) dst(%dma_wait3A_446 : memref<10000x64xf32, #tpu.memory_space<vmem_shared>>)
        tpu.yield
      }) : () -> ()
      %run_scoped3A_330 = arith.constant 3 : i32
      "tpu.region"() ({
        %run_scoped3A_428 = tpu.sem_alloc : memref<!tpu.dma_semaphore, #tpu.memory_space<semaphore_mem>>
        %dma_start3A_429 = arith.constant 240 : i32
        %dma_start3A_430 = arith.constant 0 : i32
        %dma_start3A_431 = tpu.memref_slice %arg6[%dma_start3A_429, %dma_start3A_430] : memref<1200x64xf32, #tpu.memory_space<vmem>> -> memref<80x64xf32, #tpu.memory_space<vmem>>
        %dma_start3A_432 = arith.constant 0 : i32
        %dma_start3A_433 = tpu.memref_slice %arg5[%run_scoped3A_330, %dma_start3A_432] : memref<15x80xi32, #tpu.memory_space<vmem>> -> memref<1x80xi32, #tpu.memory_space<vmem>>
        %dma_start3A_434 = tpu.memref_squeeze %dma_start3A_433 : memref<1x80xi32, #tpu.memory_space<vmem>> -> memref<80xi32, #tpu.memory_space<vmem>>
        %dma_start3A_435 = arith.constant 0 : i32
        %dma_start3A_436 = arith.constant 0 : i32
        %dma_start3A_437 = tpu.memref_slice %arg8[%dma_start3A_435, %dma_start3A_436] : memref<10000x64xf32, #tpu.memory_space<vmem_shared>> -> memref<10000x64xf32, #tpu.memory_space<vmem_shared>>
        tpu.enqueue_indirect_dma source(%dma_start3A_431 : memref<80x64xf32, #tpu.memory_space<vmem>>) target(%dma_start3A_437 : memref<10000x64xf32, #tpu.memory_space<vmem_shared>>) offsets(%dma_start3A_434 : memref<80xi32, #tpu.memory_space<vmem>>) semaphore(%run_scoped3A_428 : memref<!tpu.dma_semaphore, #tpu.memory_space<semaphore_mem>>) {add = true}
        %dma_wait3A_438 = arith.constant 240 : i32
        %dma_wait3A_439 = arith.constant 0 : i32
        %dma_wait3A_440 = tpu.memref_slice %arg6[%dma_wait3A_438, %dma_wait3A_439] : memref<1200x64xf32, #tpu.memory_space<vmem>> -> memref<80x64xf32, #tpu.memory_space<vmem>>
        %dma_wait3A_441 = arith.constant 0 : i32
        %dma_wait3A_442 = tpu.memref_slice %arg5[%run_scoped3A_330, %dma_wait3A_441] : memref<15x80xi32, #tpu.memory_space<vmem>> -> memref<1x80xi32, #tpu.memory_space<vmem>>
        %dma_wait3A_443 = tpu.memref_squeeze %dma_wait3A_442 : memref<1x80xi32, #tpu.memory_space<vmem>> -> memref<80xi32, #tpu.memory_space<vmem>>
        %dma_wait3A_444 = arith.constant 0 : i32
        %dma_wait3A_445 = arith.constant 0 : i32
        %dma_wait3A_446 = tpu.memref_slice %arg8[%dma_wait3A_444, %dma_wait3A_445] : memref<10000x64xf32, #tpu.memory_space<vmem_shared>> -> memref<10000x64xf32, #tpu.memory_space<vmem_shared>>
        tpu.wait_indirect_dma semaphore(%run_scoped3A_428 : memref<!tpu.dma_semaphore, #tpu.memory_space<semaphore_mem>>) src(%dma_wait3A_440 : memref<80x64xf32, #tpu.memory_space<vmem>>) dst(%dma_wait3A_446 : memref<10000x64xf32, #tpu.memory_space<vmem_shared>>)
        tpu.yield
      }) : () -> ()
      %run_scoped3A_331 = arith.constant 4 : i32
      "tpu.region"() ({
        %run_scoped3A_428 = tpu.sem_alloc : memref<!tpu.dma_semaphore, #tpu.memory_space<semaphore_mem>>
        %dma_start3A_429 = arith.constant 320 : i32
        %dma_start3A_430 = arith.constant 0 : i32
        %dma_start3A_431 = tpu.memref_slice %arg6[%dma_start3A_429, %dma_start3A_430] : memref<1200x64xf32, #tpu.memory_space<vmem>> -> memref<80x64xf32, #tpu.memory_space<vmem>>
        %dma_start3A_432 = arith.constant 0 : i32
        %dma_start3A_433 = tpu.memref_slice %arg5[%run_scoped3A_331, %dma_start3A_432] : memref<15x80xi32, #tpu.memory_space<vmem>> -> memref<1x80xi32, #tpu.memory_space<vmem>>
        %dma_start3A_434 = tpu.memref_squeeze %dma_start3A_433 : memref<1x80xi32, #tpu.memory_space<vmem>> -> memref<80xi32, #tpu.memory_space<vmem>>
        %dma_start3A_435 = arith.constant 0 : i32
        %dma_start3A_436 = arith.constant 0 : i32
        %dma_start3A_437 = tpu.memref_slice %arg8[%dma_start3A_435, %dma_start3A_436] : memref<10000x64xf32, #tpu.memory_space<vmem_shared>> -> memref<10000x64xf32, #tpu.memory_space<vmem_shared>>
        tpu.enqueue_indirect_dma source(%dma_start3A_431 : memref<80x64xf32, #tpu.memory_space<vmem>>) target(%dma_start3A_437 : memref<10000x64xf32, #tpu.memory_space<vmem_shared>>) offsets(%dma_start3A_434 : memref<80xi32, #tpu.memory_space<vmem>>) semaphore(%run_scoped3A_428 : memref<!tpu.dma_semaphore, #tpu.memory_space<semaphore_mem>>) {add = true}
        %dma_wait3A_438 = arith.constant 320 : i32
        %dma_wait3A_439 = arith.constant 0 : i32
        %dma_wait3A_440 = tpu.memref_slice %arg6[%dma_wait3A_438, %dma_wait3A_439] : memref<1200x64xf32, #tpu.memory_space<vmem>> -> memref<80x64xf32, #tpu.memory_space<vmem>>
        %dma_wait3A_441 = arith.constant 0 : i32
        %dma_wait3A_442 = tpu.memref_slice %arg5[%run_scoped3A_331, %dma_wait3A_441] : memref<15x80xi32, #tpu.memory_space<vmem>> -> memref<1x80xi32, #tpu.memory_space<vmem>>
        %dma_wait3A_443 = tpu.memref_squeeze %dma_wait3A_442 : memref<1x80xi32, #tpu.memory_space<vmem>> -> memref<80xi32, #tpu.memory_space<vmem>>
        %dma_wait3A_444 = arith.constant 0 : i32
        %dma_wait3A_445 = arith.constant 0 : i32
        %dma_wait3A_446 = tpu.memref_slice %arg8[%dma_wait3A_444, %dma_wait3A_445] : memref<10000x64xf32, #tpu.memory_space<vmem_shared>> -> memref<10000x64xf32, #tpu.memory_space<vmem_shared>>
        tpu.wait_indirect_dma semaphore(%run_scoped3A_428 : memref<!tpu.dma_semaphore, #tpu.memory_space<semaphore_mem>>) src(%dma_wait3A_440 : memref<80x64xf32, #tpu.memory_space<vmem>>) dst(%dma_wait3A_446 : memref<10000x64xf32, #tpu.memory_space<vmem_shared>>)
        tpu.yield
      }) : () -> ()
      %add3A_332 = arith.constant 3 : i32
      %add3A_333 = arith.addi %add3A_296, %add3A_332 : i32
      %lt3A = arith.constant 50 : i32
      %lt3A_334 = arith.cmpi slt, %add3A_333, %lt3A : i32
      %convert_element_type3A = arith.extui %lt3A_334 : i1 to i32
      %cond3A = arith.constant 0 : i32
      %cond3A_335 = arith.cmpi ne, %convert_element_type3A, %cond3A : i32
      scf.if %cond3A_335 {
        %mul3A_428 = arith.constant 400 : i32
        %mul3A_429 = arith.muli %add3A_333, %mul3A_428 : i32
        %add3A_430 = arith.addi %mul3A_4, %mul3A_429 : i32
        %dma_start3A_431 = arith.constant 0 : i32
        %dma_start3A_432 = arith.constant 0 : i32
        %dma_start3A_433 = arith.constant 0 : i32
        %dma_start3A_434 = tpu.memref_slice %arg6[%dma_start3A_432, %dma_start3A_433] : memref<1200x64xf32, #tpu.memory_space<vmem>> -> memref<400x64xf32, #tpu.memory_space<vmem>>
        %dma_start3A_435 = tpu.memref_slice %arg2[%add3A_430, %mul3A_2] : memref<320000x128xf32, #tpu.memory_space<hbm>> -> memref<400x64xf32, #tpu.memory_space<hbm>>
        %dma_start3A_436 = tpu.memref_slice %arg9[%dma_start3A_431] : memref<3x!tpu.dma_semaphore, #tpu.memory_space<semaphore_mem>> -> memref<1x!tpu.dma_semaphore, #tpu.memory_space<semaphore_mem>>
        %dma_start3A_437 = tpu.memref_squeeze %dma_start3A_436 : memref<1x!tpu.dma_semaphore, #tpu.memory_space<semaphore_mem>> -> memref<!tpu.dma_semaphore, #tpu.memory_space<semaphore_mem>>
        %dma_start3A_438 = arith.constant 0 : i32
        %dma_start3A_439 = arith.constant 0 : i32
        %dma_start3A_440 = tpu.memref_slice %arg6[%dma_start3A_438, %dma_start3A_439] : memref<1200x64xf32, #tpu.memory_space<vmem>> -> memref<400x64xf32, #tpu.memory_space<vmem>>
        %dma_start3A_441 = tpu.memref_slice %arg2[%add3A_430, %mul3A_2] : memref<320000x128xf32, #tpu.memory_space<hbm>> -> memref<400x64xf32, #tpu.memory_space<hbm>>
        tpu.enqueue_dma source(%dma_start3A_441 : memref<400x64xf32, #tpu.memory_space<hbm>>) target(%dma_start3A_440 : memref<400x64xf32, #tpu.memory_space<vmem>>) target_semaphore(%dma_start3A_437 : memref<!tpu.dma_semaphore, #tpu.memory_space<semaphore_mem>>)
        %mul3A_442 = arith.constant 5 : i32
        %mul3A_443 = arith.muli %add3A_333, %mul3A_442 : i32
        %add3A_444 = arith.addi %mul3A_6, %mul3A_443 : i32
        %dma_start3A_445 = arith.constant 0 : i32
        %dma_start3A_446 = arith.constant 0 : i32
        %dma_start3A_447 = arith.constant 0 : i32
        %dma_start3A_448 = tpu.memref_slice %arg5[%dma_start3A_446, %dma_start3A_447] : memref<15x80xi32, #tpu.memory_space<vmem>> -> memref<5x80xi32, #tpu.memory_space<vmem>>
        %dma_start3A_449 = arith.constant 0 : i32
        %dma_start3A_450 = tpu.memref_slice %arg3[%add3A_444, %dma_start3A_449] : memref<4000x80xi32, #tpu.memory_space<hbm>> -> memref<5x80xi32, #tpu.memory_space<hbm>>
        %dma_start3A_451 = tpu.memref_slice %arg10[%dma_start3A_445] : memref<3x!tpu.dma_semaphore, #tpu.memory_space<semaphore_mem>> -> memref<1x!tpu.dma_semaphore, #tpu.memory_space<semaphore_mem>>
        %dma_start3A_452 = tpu.memref_squeeze %dma_start3A_451 : memref<1x!tpu.dma_semaphore, #tpu.memory_space<semaphore_mem>> -> memref<!tpu.dma_semaphore, #tpu.memory_space<semaphore_mem>>
        %dma_start3A_453 = arith.constant 0 : i32
        %dma_start3A_454 = arith.constant 0 : i32
        %dma_start3A_455 = tpu.memref_slice %arg5[%dma_start3A_453, %dma_start3A_454] : memref<15x80xi32, #tpu.memory_space<vmem>> -> memref<5x80xi32, #tpu.memory_space<vmem>>
        %dma_start3A_456 = arith.constant 0 : i32
        %dma_start3A_457 = tpu.memref_slice %arg3[%add3A_444, %dma_start3A_456] : memref<4000x80xi32, #tpu.memory_space<hbm>> -> memref<5x80xi32, #tpu.memory_space<hbm>>
        tpu.enqueue_dma source(%dma_start3A_457 : memref<5x80xi32, #tpu.memory_space<hbm>>) target(%dma_start3A_455 : memref<5x80xi32, #tpu.memory_space<vmem>>) target_semaphore(%dma_start3A_452 : memref<!tpu.dma_semaphore, #tpu.memory_space<semaphore_mem>>)
      } else {
      }
      %mul3A_336 = arith.constant 3 : i32
      %mul3A_337 = arith.muli %scan3A_292, %mul3A_336 : i32
      %add3A_338 = arith.constant 1 : i32
      %add3A_339 = arith.addi %mul3A_337, %add3A_338 : i32
      %dma_wait3A_340 = arith.constant 1 : i32
      %dma_wait3A_341 = arith.constant 400 : i32
      %dma_wait3A_342 = arith.constant 0 : i32
      %dma_wait3A_343 = tpu.memref_slice %arg6[%dma_wait3A_341, %dma_wait3A_342] : memref<1200x64xf32, #tpu.memory_space<vmem>> -> memref<400x64xf32, #tpu.memory_space<vmem>>
      %dma_wait3A_344 = arith.constant 0 : i32
      %dma_wait3A_345 = arith.constant 0 : i32
      %dma_wait3A_346 = tpu.memref_slice %arg2[%dma_wait3A_344, %dma_wait3A_345] : memref<320000x128xf32, #tpu.memory_space<hbm>> -> memref<400x64xf32, #tpu.memory_space<hbm>>
      %dma_wait3A_347 = tpu.memref_slice %arg9[%dma_wait3A_340] : memref<3x!tpu.dma_semaphore, #tpu.memory_space<semaphore_mem>> -> memref<1x!tpu.dma_semaphore, #tpu.memory_space<semaphore_mem>>
      %dma_wait3A_348 = tpu.memref_squeeze %dma_wait3A_347 : memref<1x!tpu.dma_semaphore, #tpu.memory_space<semaphore_mem>> -> memref<!tpu.dma_semaphore, #tpu.memory_space<semaphore_mem>>
      %dma_wait3A_349 = arith.constant 400 : i32
      %dma_wait3A_350 = arith.constant 0 : i32
      %dma_wait3A_351 = tpu.memref_slice %arg6[%dma_wait3A_349, %dma_wait3A_350] : memref<1200x64xf32, #tpu.memory_space<vmem>> -> memref<400x64xf32, #tpu.memory_space<vmem>>
      %dma_wait3A_352 = arith.constant 0 : i32
      %dma_wait3A_353 = arith.constant 0 : i32
      %dma_wait3A_354 = tpu.memref_slice %arg2[%dma_wait3A_352, %dma_wait3A_353] : memref<320000x128xf32, #tpu.memory_space<hbm>> -> memref<400x64xf32, #tpu.memory_space<hbm>>
      tpu.wait_dma2 semaphore(%dma_wait3A_348 : memref<!tpu.dma_semaphore, #tpu.memory_space<semaphore_mem>>) src(%dma_wait3A_354 : memref<400x64xf32, #tpu.memory_space<hbm>>) dst(%dma_wait3A_351 : memref<400x64xf32, #tpu.memory_space<vmem>>)
      %dma_wait3A_355 = arith.constant 1 : i32
      %dma_wait3A_356 = arith.constant 5 : i32
      %dma_wait3A_357 = arith.constant 0 : i32
      %dma_wait3A_358 = tpu.memref_slice %arg5[%dma_wait3A_356, %dma_wait3A_357] : memref<15x80xi32, #tpu.memory_space<vmem>> -> memref<5x80xi32, #tpu.memory_space<vmem>>
      %dma_wait3A_359 = arith.constant 0 : i32
      %dma_wait3A_360 = arith.constant 0 : i32
      %dma_wait3A_361 = tpu.memref_slice %arg3[%dma_wait3A_359, %dma_wait3A_360] : memref<4000x80xi32, #tpu.memory_space<hbm>> -> memref<5x80xi32, #tpu.memory_space<hbm>>
      %dma_wait3A_362 = tpu.memref_slice %arg10[%dma_wait3A_355] : memref<3x!tpu.dma_semaphore, #tpu.memory_space<semaphore_mem>> -> memref<1x!tpu.dma_semaphore, #tpu.memory_space<semaphore_mem>>
      %dma_wait3A_363 = tpu.memref_squeeze %dma_wait3A_362 : memref<1x!tpu.dma_semaphore, #tpu.memory_space<semaphore_mem>> -> memref<!tpu.dma_semaphore, #tpu.memory_space<semaphore_mem>>
      %dma_wait3A_364 = arith.constant 5 : i32
      %dma_wait3A_365 = arith.constant 0 : i32
      %dma_wait3A_366 = tpu.memref_slice %arg5[%dma_wait3A_364, %dma_wait3A_365] : memref<15x80xi32, #tpu.memory_space<vmem>> -> memref<5x80xi32, #tpu.memory_space<vmem>>
      %dma_wait3A_367 = arith.constant 0 : i32
      %dma_wait3A_368 = arith.constant 0 : i32
      %dma_wait3A_369 = tpu.memref_slice %arg3[%dma_wait3A_367, %dma_wait3A_368] : memref<4000x80xi32, #tpu.memory_space<hbm>> -> memref<5x80xi32, #tpu.memory_space<hbm>>
      tpu.wait_dma2 semaphore(%dma_wait3A_363 : memref<!tpu.dma_semaphore, #tpu.memory_space<semaphore_mem>>) src(%dma_wait3A_369 : memref<5x80xi32, #tpu.memory_space<hbm>>) dst(%dma_wait3A_366 : memref<5x80xi32, #tpu.memory_space<vmem>>)
      %run_scoped3A_370 = arith.constant 5 : i32
      "tpu.region"() ({
        %run_scoped3A_428 = tpu.sem_alloc : memref<!tpu.dma_semaphore, #tpu.memory_space<semaphore_mem>>
        %dma_start3A_429 = arith.constant 400 : i32
        %dma_start3A_430 = arith.constant 0 : i32
        %dma_start3A_431 = tpu.memref_slice %arg6[%dma_start3A_429, %dma_start3A_430] : memref<1200x64xf32, #tpu.memory_space<vmem>> -> memref<80x64xf32, #tpu.memory_space<vmem>>
        %dma_start3A_432 = arith.constant 0 : i32
        %dma_start3A_433 = tpu.memref_slice %arg5[%run_scoped3A_370, %dma_start3A_432] : memref<15x80xi32, #tpu.memory_space<vmem>> -> memref<1x80xi32, #tpu.memory_space<vmem>>
        %dma_start3A_434 = tpu.memref_squeeze %dma_start3A_433 : memref<1x80xi32, #tpu.memory_space<vmem>> -> memref<80xi32, #tpu.memory_space<vmem>>
        %dma_start3A_435 = arith.constant 0 : i32
        %dma_start3A_436 = arith.constant 0 : i32
        %dma_start3A_437 = tpu.memref_slice %arg8[%dma_start3A_435, %dma_start3A_436] : memref<10000x64xf32, #tpu.memory_space<vmem_shared>> -> memref<10000x64xf32, #tpu.memory_space<vmem_shared>>
        tpu.enqueue_indirect_dma source(%dma_start3A_431 : memref<80x64xf32, #tpu.memory_space<vmem>>) target(%dma_start3A_437 : memref<10000x64xf32, #tpu.memory_space<vmem_shared>>) offsets(%dma_start3A_434 : memref<80xi32, #tpu.memory_space<vmem>>) semaphore(%run_scoped3A_428 : memref<!tpu.dma_semaphore, #tpu.memory_space<semaphore_mem>>) {add = true}
        %dma_wait3A_438 = arith.constant 400 : i32
        %dma_wait3A_439 = arith.constant 0 : i32
        %dma_wait3A_440 = tpu.memref_slice %arg6[%dma_wait3A_438, %dma_wait3A_439] : memref<1200x64xf32, #tpu.memory_space<vmem>> -> memref<80x64xf32, #tpu.memory_space<vmem>>
        %dma_wait3A_441 = arith.constant 0 : i32
        %dma_wait3A_442 = tpu.memref_slice %arg5[%run_scoped3A_370, %dma_wait3A_441] : memref<15x80xi32, #tpu.memory_space<vmem>> -> memref<1x80xi32, #tpu.memory_space<vmem>>
        %dma_wait3A_443 = tpu.memref_squeeze %dma_wait3A_442 : memref<1x80xi32, #tpu.memory_space<vmem>> -> memref<80xi32, #tpu.memory_space<vmem>>
        %dma_wait3A_444 = arith.constant 0 : i32
        %dma_wait3A_445 = arith.constant 0 : i32
        %dma_wait3A_446 = tpu.memref_slice %arg8[%dma_wait3A_444, %dma_wait3A_445] : memref<10000x64xf32, #tpu.memory_space<vmem_shared>> -> memref<10000x64xf32, #tpu.memory_space<vmem_shared>>
        tpu.wait_indirect_dma semaphore(%run_scoped3A_428 : memref<!tpu.dma_semaphore, #tpu.memory_space<semaphore_mem>>) src(%dma_wait3A_440 : memref<80x64xf32, #tpu.memory_space<vmem>>) dst(%dma_wait3A_446 : memref<10000x64xf32, #tpu.memory_space<vmem_shared>>)
        tpu.yield
      }) : () -> ()
      %run_scoped3A_371 = arith.constant 6 : i32
      "tpu.region"() ({
        %run_scoped3A_428 = tpu.sem_alloc : memref<!tpu.dma_semaphore, #tpu.memory_space<semaphore_mem>>
        %dma_start3A_429 = arith.constant 480 : i32
        %dma_start3A_430 = arith.constant 0 : i32
        %dma_start3A_431 = tpu.memref_slice %arg6[%dma_start3A_429, %dma_start3A_430] : memref<1200x64xf32, #tpu.memory_space<vmem>> -> memref<80x64xf32, #tpu.memory_space<vmem>>
        %dma_start3A_432 = arith.constant 0 : i32
        %dma_start3A_433 = tpu.memref_slice %arg5[%run_scoped3A_371, %dma_start3A_432] : memref<15x80xi32, #tpu.memory_space<vmem>> -> memref<1x80xi32, #tpu.memory_space<vmem>>
        %dma_start3A_434 = tpu.memref_squeeze %dma_start3A_433 : memref<1x80xi32, #tpu.memory_space<vmem>> -> memref<80xi32, #tpu.memory_space<vmem>>
        %dma_start3A_435 = arith.constant 0 : i32
        %dma_start3A_436 = arith.constant 0 : i32
        %dma_start3A_437 = tpu.memref_slice %arg8[%dma_start3A_435, %dma_start3A_436] : memref<10000x64xf32, #tpu.memory_space<vmem_shared>> -> memref<10000x64xf32, #tpu.memory_space<vmem_shared>>
        tpu.enqueue_indirect_dma source(%dma_start3A_431 : memref<80x64xf32, #tpu.memory_space<vmem>>) target(%dma_start3A_437 : memref<10000x64xf32, #tpu.memory_space<vmem_shared>>) offsets(%dma_start3A_434 : memref<80xi32, #tpu.memory_space<vmem>>) semaphore(%run_scoped3A_428 : memref<!tpu.dma_semaphore, #tpu.memory_space<semaphore_mem>>) {add = true}
        %dma_wait3A_438 = arith.constant 480 : i32
        %dma_wait3A_439 = arith.constant 0 : i32
        %dma_wait3A_440 = tpu.memref_slice %arg6[%dma_wait3A_438, %dma_wait3A_439] : memref<1200x64xf32, #tpu.memory_space<vmem>> -> memref<80x64xf32, #tpu.memory_space<vmem>>
        %dma_wait3A_441 = arith.constant 0 : i32
        %dma_wait3A_442 = tpu.memref_slice %arg5[%run_scoped3A_371, %dma_wait3A_441] : memref<15x80xi32, #tpu.memory_space<vmem>> -> memref<1x80xi32, #tpu.memory_space<vmem>>
        %dma_wait3A_443 = tpu.memref_squeeze %dma_wait3A_442 : memref<1x80xi32, #tpu.memory_space<vmem>> -> memref<80xi32, #tpu.memory_space<vmem>>
        %dma_wait3A_444 = arith.constant 0 : i32
        %dma_wait3A_445 = arith.constant 0 : i32
        %dma_wait3A_446 = tpu.memref_slice %arg8[%dma_wait3A_444, %dma_wait3A_445] : memref<10000x64xf32, #tpu.memory_space<vmem_shared>> -> memref<10000x64xf32, #tpu.memory_space<vmem_shared>>
        tpu.wait_indirect_dma semaphore(%run_scoped3A_428 : memref<!tpu.dma_semaphore, #tpu.memory_space<semaphore_mem>>) src(%dma_wait3A_440 : memref<80x64xf32, #tpu.memory_space<vmem>>) dst(%dma_wait3A_446 : memref<10000x64xf32, #tpu.memory_space<vmem_shared>>)
        tpu.yield
      }) : () -> ()
      %run_scoped3A_372 = arith.constant 7 : i32
      "tpu.region"() ({
        %run_scoped3A_428 = tpu.sem_alloc : memref<!tpu.dma_semaphore, #tpu.memory_space<semaphore_mem>>
        %dma_start3A_429 = arith.constant 560 : i32
        %dma_start3A_430 = arith.constant 0 : i32
        %dma_start3A_431 = tpu.memref_slice %arg6[%dma_start3A_429, %dma_start3A_430] : memref<1200x64xf32, #tpu.memory_space<vmem>> -> memref<80x64xf32, #tpu.memory_space<vmem>>
        %dma_start3A_432 = arith.constant 0 : i32
        %dma_start3A_433 = tpu.memref_slice %arg5[%run_scoped3A_372, %dma_start3A_432] : memref<15x80xi32, #tpu.memory_space<vmem>> -> memref<1x80xi32, #tpu.memory_space<vmem>>
        %dma_start3A_434 = tpu.memref_squeeze %dma_start3A_433 : memref<1x80xi32, #tpu.memory_space<vmem>> -> memref<80xi32, #tpu.memory_space<vmem>>
        %dma_start3A_435 = arith.constant 0 : i32
        %dma_start3A_436 = arith.constant 0 : i32
        %dma_start3A_437 = tpu.memref_slice %arg8[%dma_start3A_435, %dma_start3A_436] : memref<10000x64xf32, #tpu.memory_space<vmem_shared>> -> memref<10000x64xf32, #tpu.memory_space<vmem_shared>>
        tpu.enqueue_indirect_dma source(%dma_start3A_431 : memref<80x64xf32, #tpu.memory_space<vmem>>) target(%dma_start3A_437 : memref<10000x64xf32, #tpu.memory_space<vmem_shared>>) offsets(%dma_start3A_434 : memref<80xi32, #tpu.memory_space<vmem>>) semaphore(%run_scoped3A_428 : memref<!tpu.dma_semaphore, #tpu.memory_space<semaphore_mem>>) {add = true}
        %dma_wait3A_438 = arith.constant 560 : i32
        %dma_wait3A_439 = arith.constant 0 : i32
        %dma_wait3A_440 = tpu.memref_slice %arg6[%dma_wait3A_438, %dma_wait3A_439] : memref<1200x64xf32, #tpu.memory_space<vmem>> -> memref<80x64xf32, #tpu.memory_space<vmem>>
        %dma_wait3A_441 = arith.constant 0 : i32
        %dma_wait3A_442 = tpu.memref_slice %arg5[%run_scoped3A_372, %dma_wait3A_441] : memref<15x80xi32, #tpu.memory_space<vmem>> -> memref<1x80xi32, #tpu.memory_space<vmem>>
        %dma_wait3A_443 = tpu.memref_squeeze %dma_wait3A_442 : memref<1x80xi32, #tpu.memory_space<vmem>> -> memref<80xi32, #tpu.memory_space<vmem>>
        %dma_wait3A_444 = arith.constant 0 : i32
        %dma_wait3A_445 = arith.constant 0 : i32
        %dma_wait3A_446 = tpu.memref_slice %arg8[%dma_wait3A_444, %dma_wait3A_445] : memref<10000x64xf32, #tpu.memory_space<vmem_shared>> -> memref<10000x64xf32, #tpu.memory_space<vmem_shared>>
        tpu.wait_indirect_dma semaphore(%run_scoped3A_428 : memref<!tpu.dma_semaphore, #tpu.memory_space<semaphore_mem>>) src(%dma_wait3A_440 : memref<80x64xf32, #tpu.memory_space<vmem>>) dst(%dma_wait3A_446 : memref<10000x64xf32, #tpu.memory_space<vmem_shared>>)
        tpu.yield
      }) : () -> ()
      %run_scoped3A_373 = arith.constant 8 : i32
      "tpu.region"() ({
        %run_scoped3A_428 = tpu.sem_alloc : memref<!tpu.dma_semaphore, #tpu.memory_space<semaphore_mem>>
        %dma_start3A_429 = arith.constant 640 : i32
        %dma_start3A_430 = arith.constant 0 : i32
        %dma_start3A_431 = tpu.memref_slice %arg6[%dma_start3A_429, %dma_start3A_430] : memref<1200x64xf32, #tpu.memory_space<vmem>> -> memref<80x64xf32, #tpu.memory_space<vmem>>
        %dma_start3A_432 = arith.constant 0 : i32
        %dma_start3A_433 = tpu.memref_slice %arg5[%run_scoped3A_373, %dma_start3A_432] : memref<15x80xi32, #tpu.memory_space<vmem>> -> memref<1x80xi32, #tpu.memory_space<vmem>>
        %dma_start3A_434 = tpu.memref_squeeze %dma_start3A_433 : memref<1x80xi32, #tpu.memory_space<vmem>> -> memref<80xi32, #tpu.memory_space<vmem>>
        %dma_start3A_435 = arith.constant 0 : i32
        %dma_start3A_436 = arith.constant 0 : i32
        %dma_start3A_437 = tpu.memref_slice %arg8[%dma_start3A_435, %dma_start3A_436] : memref<10000x64xf32, #tpu.memory_space<vmem_shared>> -> memref<10000x64xf32, #tpu.memory_space<vmem_shared>>
        tpu.enqueue_indirect_dma source(%dma_start3A_431 : memref<80x64xf32, #tpu.memory_space<vmem>>) target(%dma_start3A_437 : memref<10000x64xf32, #tpu.memory_space<vmem_shared>>) offsets(%dma_start3A_434 : memref<80xi32, #tpu.memory_space<vmem>>) semaphore(%run_scoped3A_428 : memref<!tpu.dma_semaphore, #tpu.memory_space<semaphore_mem>>) {add = true}
        %dma_wait3A_438 = arith.constant 640 : i32
        %dma_wait3A_439 = arith.constant 0 : i32
        %dma_wait3A_440 = tpu.memref_slice %arg6[%dma_wait3A_438, %dma_wait3A_439] : memref<1200x64xf32, #tpu.memory_space<vmem>> -> memref<80x64xf32, #tpu.memory_space<vmem>>
        %dma_wait3A_441 = arith.constant 0 : i32
        %dma_wait3A_442 = tpu.memref_slice %arg5[%run_scoped3A_373, %dma_wait3A_441] : memref<15x80xi32, #tpu.memory_space<vmem>> -> memref<1x80xi32, #tpu.memory_space<vmem>>
        %dma_wait3A_443 = tpu.memref_squeeze %dma_wait3A_442 : memref<1x80xi32, #tpu.memory_space<vmem>> -> memref<80xi32, #tpu.memory_space<vmem>>
        %dma_wait3A_444 = arith.constant 0 : i32
        %dma_wait3A_445 = arith.constant 0 : i32
        %dma_wait3A_446 = tpu.memref_slice %arg8[%dma_wait3A_444, %dma_wait3A_445] : memref<10000x64xf32, #tpu.memory_space<vmem_shared>> -> memref<10000x64xf32, #tpu.memory_space<vmem_shared>>
        tpu.wait_indirect_dma semaphore(%run_scoped3A_428 : memref<!tpu.dma_semaphore, #tpu.memory_space<semaphore_mem>>) src(%dma_wait3A_440 : memref<80x64xf32, #tpu.memory_space<vmem>>) dst(%dma_wait3A_446 : memref<10000x64xf32, #tpu.memory_space<vmem_shared>>)
        tpu.yield
      }) : () -> ()
      %run_scoped3A_374 = arith.constant 9 : i32
      "tpu.region"() ({
        %run_scoped3A_428 = tpu.sem_alloc : memref<!tpu.dma_semaphore, #tpu.memory_space<semaphore_mem>>
        %dma_start3A_429 = arith.constant 720 : i32
        %dma_start3A_430 = arith.constant 0 : i32
        %dma_start3A_431 = tpu.memref_slice %arg6[%dma_start3A_429, %dma_start3A_430] : memref<1200x64xf32, #tpu.memory_space<vmem>> -> memref<80x64xf32, #tpu.memory_space<vmem>>
        %dma_start3A_432 = arith.constant 0 : i32
        %dma_start3A_433 = tpu.memref_slice %arg5[%run_scoped3A_374, %dma_start3A_432] : memref<15x80xi32, #tpu.memory_space<vmem>> -> memref<1x80xi32, #tpu.memory_space<vmem>>
        %dma_start3A_434 = tpu.memref_squeeze %dma_start3A_433 : memref<1x80xi32, #tpu.memory_space<vmem>> -> memref<80xi32, #tpu.memory_space<vmem>>
        %dma_start3A_435 = arith.constant 0 : i32
        %dma_start3A_436 = arith.constant 0 : i32
        %dma_start3A_437 = tpu.memref_slice %arg8[%dma_start3A_435, %dma_start3A_436] : memref<10000x64xf32, #tpu.memory_space<vmem_shared>> -> memref<10000x64xf32, #tpu.memory_space<vmem_shared>>
        tpu.enqueue_indirect_dma source(%dma_start3A_431 : memref<80x64xf32, #tpu.memory_space<vmem>>) target(%dma_start3A_437 : memref<10000x64xf32, #tpu.memory_space<vmem_shared>>) offsets(%dma_start3A_434 : memref<80xi32, #tpu.memory_space<vmem>>) semaphore(%run_scoped3A_428 : memref<!tpu.dma_semaphore, #tpu.memory_space<semaphore_mem>>) {add = true}
        %dma_wait3A_438 = arith.constant 720 : i32
        %dma_wait3A_439 = arith.constant 0 : i32
        %dma_wait3A_440 = tpu.memref_slice %arg6[%dma_wait3A_438, %dma_wait3A_439] : memref<1200x64xf32, #tpu.memory_space<vmem>> -> memref<80x64xf32, #tpu.memory_space<vmem>>
        %dma_wait3A_441 = arith.constant 0 : i32
        %dma_wait3A_442 = tpu.memref_slice %arg5[%run_scoped3A_374, %dma_wait3A_441] : memref<15x80xi32, #tpu.memory_space<vmem>> -> memref<1x80xi32, #tpu.memory_space<vmem>>
        %dma_wait3A_443 = tpu.memref_squeeze %dma_wait3A_442 : memref<1x80xi32, #tpu.memory_space<vmem>> -> memref<80xi32, #tpu.memory_space<vmem>>
        %dma_wait3A_444 = arith.constant 0 : i32
        %dma_wait3A_445 = arith.constant 0 : i32
        %dma_wait3A_446 = tpu.memref_slice %arg8[%dma_wait3A_444, %dma_wait3A_445] : memref<10000x64xf32, #tpu.memory_space<vmem_shared>> -> memref<10000x64xf32, #tpu.memory_space<vmem_shared>>
        tpu.wait_indirect_dma semaphore(%run_scoped3A_428 : memref<!tpu.dma_semaphore, #tpu.memory_space<semaphore_mem>>) src(%dma_wait3A_440 : memref<80x64xf32, #tpu.memory_space<vmem>>) dst(%dma_wait3A_446 : memref<10000x64xf32, #tpu.memory_space<vmem_shared>>)
        tpu.yield
      }) : () -> ()
      %add3A_375 = arith.constant 3 : i32
      %add3A_376 = arith.addi %add3A_339, %add3A_375 : i32
      %lt3A_377 = arith.constant 50 : i32
      %lt3A_378 = arith.cmpi slt, %add3A_376, %lt3A_377 : i32
      %convert_element_type3A_379 = arith.extui %lt3A_378 : i1 to i32
      %cond3A_380 = arith.constant 0 : i32
      %cond3A_381 = arith.cmpi ne, %convert_element_type3A_379, %cond3A_380 : i32
      scf.if %cond3A_381 {
        %mul3A_428 = arith.constant 400 : i32
        %mul3A_429 = arith.muli %add3A_376, %mul3A_428 : i32
        %add3A_430 = arith.addi %mul3A_4, %mul3A_429 : i32
        %dma_start3A_431 = arith.constant 1 : i32
        %dma_start3A_432 = arith.constant 400 : i32
        %dma_start3A_433 = arith.constant 0 : i32
        %dma_start3A_434 = tpu.memref_slice %arg6[%dma_start3A_432, %dma_start3A_433] : memref<1200x64xf32, #tpu.memory_space<vmem>> -> memref<400x64xf32, #tpu.memory_space<vmem>>
        %dma_start3A_435 = tpu.memref_slice %arg2[%add3A_430, %mul3A_2] : memref<320000x128xf32, #tpu.memory_space<hbm>> -> memref<400x64xf32, #tpu.memory_space<hbm>>
        %dma_start3A_436 = tpu.memref_slice %arg9[%dma_start3A_431] : memref<3x!tpu.dma_semaphore, #tpu.memory_space<semaphore_mem>> -> memref<1x!tpu.dma_semaphore, #tpu.memory_space<semaphore_mem>>
        %dma_start3A_437 = tpu.memref_squeeze %dma_start3A_436 : memref<1x!tpu.dma_semaphore, #tpu.memory_space<semaphore_mem>> -> memref<!tpu.dma_semaphore, #tpu.memory_space<semaphore_mem>>
        %dma_start3A_438 = arith.constant 400 : i32
        %dma_start3A_439 = arith.constant 0 : i32
        %dma_start3A_440 = tpu.memref_slice %arg6[%dma_start3A_438, %dma_start3A_439] : memref<1200x64xf32, #tpu.memory_space<vmem>> -> memref<400x64xf32, #tpu.memory_space<vmem>>
        %dma_start3A_441 = tpu.memref_slice %arg2[%add3A_430, %mul3A_2] : memref<320000x128xf32, #tpu.memory_space<hbm>> -> memref<400x64xf32, #tpu.memory_space<hbm>>
        tpu.enqueue_dma source(%dma_start3A_441 : memref<400x64xf32, #tpu.memory_space<hbm>>) target(%dma_start3A_440 : memref<400x64xf32, #tpu.memory_space<vmem>>) target_semaphore(%dma_start3A_437 : memref<!tpu.dma_semaphore, #tpu.memory_space<semaphore_mem>>)
        %mul3A_442 = arith.constant 5 : i32
        %mul3A_443 = arith.muli %add3A_376, %mul3A_442 : i32
        %add3A_444 = arith.addi %mul3A_6, %mul3A_443 : i32
        %dma_start3A_445 = arith.constant 1 : i32
        %dma_start3A_446 = arith.constant 5 : i32
        %dma_start3A_447 = arith.constant 0 : i32
        %dma_start3A_448 = tpu.memref_slice %arg5[%dma_start3A_446, %dma_start3A_447] : memref<15x80xi32, #tpu.memory_space<vmem>> -> memref<5x80xi32, #tpu.memory_space<vmem>>
        %dma_start3A_449 = arith.constant 0 : i32
        %dma_start3A_450 = tpu.memref_slice %arg3[%add3A_444, %dma_start3A_449] : memref<4000x80xi32, #tpu.memory_space<hbm>> -> memref<5x80xi32, #tpu.memory_space<hbm>>
        %dma_start3A_451 = tpu.memref_slice %arg10[%dma_start3A_445] : memref<3x!tpu.dma_semaphore, #tpu.memory_space<semaphore_mem>> -> memref<1x!tpu.dma_semaphore, #tpu.memory_space<semaphore_mem>>
        %dma_start3A_452 = tpu.memref_squeeze %dma_start3A_451 : memref<1x!tpu.dma_semaphore, #tpu.memory_space<semaphore_mem>> -> memref<!tpu.dma_semaphore, #tpu.memory_space<semaphore_mem>>
        %dma_start3A_453 = arith.constant 5 : i32
        %dma_start3A_454 = arith.constant 0 : i32
        %dma_start3A_455 = tpu.memref_slice %arg5[%dma_start3A_453, %dma_start3A_454] : memref<15x80xi32, #tpu.memory_space<vmem>> -> memref<5x80xi32, #tpu.memory_space<vmem>>
        %dma_start3A_456 = arith.constant 0 : i32
        %dma_start3A_457 = tpu.memref_slice %arg3[%add3A_444, %dma_start3A_456] : memref<4000x80xi32, #tpu.memory_space<hbm>> -> memref<5x80xi32, #tpu.memory_space<hbm>>
        tpu.enqueue_dma source(%dma_start3A_457 : memref<5x80xi32, #tpu.memory_space<hbm>>) target(%dma_start3A_455 : memref<5x80xi32, #tpu.memory_space<vmem>>) target_semaphore(%dma_start3A_452 : memref<!tpu.dma_semaphore, #tpu.memory_space<semaphore_mem>>)
      } else {
      }
      %mul3A_382 = arith.constant 3 : i32
      %mul3A_383 = arith.muli %scan3A_292, %mul3A_382 : i32
      %add3A_384 = arith.constant 2 : i32
      %add3A_385 = arith.addi %mul3A_383, %add3A_384 : i32
      %dma_wait3A_386 = arith.constant 2 : i32
      %dma_wait3A_387 = arith.constant 800 : i32
      %dma_wait3A_388 = arith.constant 0 : i32
      %dma_wait3A_389 = tpu.memref_slice %arg6[%dma_wait3A_387, %dma_wait3A_388] : memref<1200x64xf32, #tpu.memory_space<vmem>> -> memref<400x64xf32, #tpu.memory_space<vmem>>
      %dma_wait3A_390 = arith.constant 0 : i32
      %dma_wait3A_391 = arith.constant 0 : i32
      %dma_wait3A_392 = tpu.memref_slice %arg2[%dma_wait3A_390, %dma_wait3A_391] : memref<320000x128xf32, #tpu.memory_space<hbm>> -> memref<400x64xf32, #tpu.memory_space<hbm>>
      %dma_wait3A_393 = tpu.memref_slice %arg9[%dma_wait3A_386] : memref<3x!tpu.dma_semaphore, #tpu.memory_space<semaphore_mem>> -> memref<1x!tpu.dma_semaphore, #tpu.memory_space<semaphore_mem>>
      %dma_wait3A_394 = tpu.memref_squeeze %dma_wait3A_393 : memref<1x!tpu.dma_semaphore, #tpu.memory_space<semaphore_mem>> -> memref<!tpu.dma_semaphore, #tpu.memory_space<semaphore_mem>>
      %dma_wait3A_395 = arith.constant 800 : i32
      %dma_wait3A_396 = arith.constant 0 : i32
      %dma_wait3A_397 = tpu.memref_slice %arg6[%dma_wait3A_395, %dma_wait3A_396] : memref<1200x64xf32, #tpu.memory_space<vmem>> -> memref<400x64xf32, #tpu.memory_space<vmem>>
      %dma_wait3A_398 = arith.constant 0 : i32
      %dma_wait3A_399 = arith.constant 0 : i32
      %dma_wait3A_400 = tpu.memref_slice %arg2[%dma_wait3A_398, %dma_wait3A_399] : memref<320000x128xf32, #tpu.memory_space<hbm>> -> memref<400x64xf32, #tpu.memory_space<hbm>>
      tpu.wait_dma2 semaphore(%dma_wait3A_394 : memref<!tpu.dma_semaphore, #tpu.memory_space<semaphore_mem>>) src(%dma_wait3A_400 : memref<400x64xf32, #tpu.memory_space<hbm>>) dst(%dma_wait3A_397 : memref<400x64xf32, #tpu.memory_space<vmem>>)
      %dma_wait3A_401 = arith.constant 2 : i32
      %dma_wait3A_402 = arith.constant 10 : i32
      %dma_wait3A_403 = arith.constant 0 : i32
      %dma_wait3A_404 = tpu.memref_slice %arg5[%dma_wait3A_402, %dma_wait3A_403] : memref<15x80xi32, #tpu.memory_space<vmem>> -> memref<5x80xi32, #tpu.memory_space<vmem>>
      %dma_wait3A_405 = arith.constant 0 : i32
      %dma_wait3A_406 = arith.constant 0 : i32
      %dma_wait3A_407 = tpu.memref_slice %arg3[%dma_wait3A_405, %dma_wait3A_406] : memref<4000x80xi32, #tpu.memory_space<hbm>> -> memref<5x80xi32, #tpu.memory_space<hbm>>
      %dma_wait3A_408 = tpu.memref_slice %arg10[%dma_wait3A_401] : memref<3x!tpu.dma_semaphore, #tpu.memory_space<semaphore_mem>> -> memref<1x!tpu.dma_semaphore, #tpu.memory_space<semaphore_mem>>
      %dma_wait3A_409 = tpu.memref_squeeze %dma_wait3A_408 : memref<1x!tpu.dma_semaphore, #tpu.memory_space<semaphore_mem>> -> memref<!tpu.dma_semaphore, #tpu.memory_space<semaphore_mem>>
      %dma_wait3A_410 = arith.constant 10 : i32
      %dma_wait3A_411 = arith.constant 0 : i32
      %dma_wait3A_412 = tpu.memref_slice %arg5[%dma_wait3A_410, %dma_wait3A_411] : memref<15x80xi32, #tpu.memory_space<vmem>> -> memref<5x80xi32, #tpu.memory_space<vmem>>
      %dma_wait3A_413 = arith.constant 0 : i32
      %dma_wait3A_414 = arith.constant 0 : i32
      %dma_wait3A_415 = tpu.memref_slice %arg3[%dma_wait3A_413, %dma_wait3A_414] : memref<4000x80xi32, #tpu.memory_space<hbm>> -> memref<5x80xi32, #tpu.memory_space<hbm>>
      tpu.wait_dma2 semaphore(%dma_wait3A_409 : memref<!tpu.dma_semaphore, #tpu.memory_space<semaphore_mem>>) src(%dma_wait3A_415 : memref<5x80xi32, #tpu.memory_space<hbm>>) dst(%dma_wait3A_412 : memref<5x80xi32, #tpu.memory_space<vmem>>)
      %run_scoped3A_416 = arith.constant 10 : i32
      "tpu.region"() ({
        %run_scoped3A_428 = tpu.sem_alloc : memref<!tpu.dma_semaphore, #tpu.memory_space<semaphore_mem>>
        %dma_start3A_429 = arith.constant 800 : i32
        %dma_start3A_430 = arith.constant 0 : i32
        %dma_start3A_431 = tpu.memref_slice %arg6[%dma_start3A_429, %dma_start3A_430] : memref<1200x64xf32, #tpu.memory_space<vmem>> -> memref<80x64xf32, #tpu.memory_space<vmem>>
        %dma_start3A_432 = arith.constant 0 : i32
        %dma_start3A_433 = tpu.memref_slice %arg5[%run_scoped3A_416, %dma_start3A_432] : memref<15x80xi32, #tpu.memory_space<vmem>> -> memref<1x80xi32, #tpu.memory_space<vmem>>
        %dma_start3A_434 = tpu.memref_squeeze %dma_start3A_433 : memref<1x80xi32, #tpu.memory_space<vmem>> -> memref<80xi32, #tpu.memory_space<vmem>>
        %dma_start3A_435 = arith.constant 0 : i32
        %dma_start3A_436 = arith.constant 0 : i32
        %dma_start3A_437 = tpu.memref_slice %arg8[%dma_start3A_435, %dma_start3A_436] : memref<10000x64xf32, #tpu.memory_space<vmem_shared>> -> memref<10000x64xf32, #tpu.memory_space<vmem_shared>>
        tpu.enqueue_indirect_dma source(%dma_start3A_431 : memref<80x64xf32, #tpu.memory_space<vmem>>) target(%dma_start3A_437 : memref<10000x64xf32, #tpu.memory_space<vmem_shared>>) offsets(%dma_start3A_434 : memref<80xi32, #tpu.memory_space<vmem>>) semaphore(%run_scoped3A_428 : memref<!tpu.dma_semaphore, #tpu.memory_space<semaphore_mem>>) {add = true}
        %dma_wait3A_438 = arith.constant 800 : i32
        %dma_wait3A_439 = arith.constant 0 : i32
        %dma_wait3A_440 = tpu.memref_slice %arg6[%dma_wait3A_438, %dma_wait3A_439] : memref<1200x64xf32, #tpu.memory_space<vmem>> -> memref<80x64xf32, #tpu.memory_space<vmem>>
        %dma_wait3A_441 = arith.constant 0 : i32
        %dma_wait3A_442 = tpu.memref_slice %arg5[%run_scoped3A_416, %dma_wait3A_441] : memref<15x80xi32, #tpu.memory_space<vmem>> -> memref<1x80xi32, #tpu.memory_space<vmem>>
        %dma_wait3A_443 = tpu.memref_squeeze %dma_wait3A_442 : memref<1x80xi32, #tpu.memory_space<vmem>> -> memref<80xi32, #tpu.memory_space<vmem>>
        %dma_wait3A_444 = arith.constant 0 : i32
        %dma_wait3A_445 = arith.constant 0 : i32
        %dma_wait3A_446 = tpu.memref_slice %arg8[%dma_wait3A_444, %dma_wait3A_445] : memref<10000x64xf32, #tpu.memory_space<vmem_shared>> -> memref<10000x64xf32, #tpu.memory_space<vmem_shared>>
        tpu.wait_indirect_dma semaphore(%run_scoped3A_428 : memref<!tpu.dma_semaphore, #tpu.memory_space<semaphore_mem>>) src(%dma_wait3A_440 : memref<80x64xf32, #tpu.memory_space<vmem>>) dst(%dma_wait3A_446 : memref<10000x64xf32, #tpu.memory_space<vmem_shared>>)
        tpu.yield
      }) : () -> ()
      %run_scoped3A_417 = arith.constant 11 : i32
      "tpu.region"() ({
        %run_scoped3A_428 = tpu.sem_alloc : memref<!tpu.dma_semaphore, #tpu.memory_space<semaphore_mem>>
        %dma_start3A_429 = arith.constant 880 : i32
        %dma_start3A_430 = arith.constant 0 : i32
        %dma_start3A_431 = tpu.memref_slice %arg6[%dma_start3A_429, %dma_start3A_430] : memref<1200x64xf32, #tpu.memory_space<vmem>> -> memref<80x64xf32, #tpu.memory_space<vmem>>
        %dma_start3A_432 = arith.constant 0 : i32
        %dma_start3A_433 = tpu.memref_slice %arg5[%run_scoped3A_417, %dma_start3A_432] : memref<15x80xi32, #tpu.memory_space<vmem>> -> memref<1x80xi32, #tpu.memory_space<vmem>>
        %dma_start3A_434 = tpu.memref_squeeze %dma_start3A_433 : memref<1x80xi32, #tpu.memory_space<vmem>> -> memref<80xi32, #tpu.memory_space<vmem>>
        %dma_start3A_435 = arith.constant 0 : i32
        %dma_start3A_436 = arith.constant 0 : i32
        %dma_start3A_437 = tpu.memref_slice %arg8[%dma_start3A_435, %dma_start3A_436] : memref<10000x64xf32, #tpu.memory_space<vmem_shared>> -> memref<10000x64xf32, #tpu.memory_space<vmem_shared>>
        tpu.enqueue_indirect_dma source(%dma_start3A_431 : memref<80x64xf32, #tpu.memory_space<vmem>>) target(%dma_start3A_437 : memref<10000x64xf32, #tpu.memory_space<vmem_shared>>) offsets(%dma_start3A_434 : memref<80xi32, #tpu.memory_space<vmem>>) semaphore(%run_scoped3A_428 : memref<!tpu.dma_semaphore, #tpu.memory_space<semaphore_mem>>) {add = true}
        %dma_wait3A_438 = arith.constant 880 : i32
        %dma_wait3A_439 = arith.constant 0 : i32
        %dma_wait3A_440 = tpu.memref_slice %arg6[%dma_wait3A_438, %dma_wait3A_439] : memref<1200x64xf32, #tpu.memory_space<vmem>> -> memref<80x64xf32, #tpu.memory_space<vmem>>
        %dma_wait3A_441 = arith.constant 0 : i32
        %dma_wait3A_442 = tpu.memref_slice %arg5[%run_scoped3A_417, %dma_wait3A_441] : memref<15x80xi32, #tpu.memory_space<vmem>> -> memref<1x80xi32, #tpu.memory_space<vmem>>
        %dma_wait3A_443 = tpu.memref_squeeze %dma_wait3A_442 : memref<1x80xi32, #tpu.memory_space<vmem>> -> memref<80xi32, #tpu.memory_space<vmem>>
        %dma_wait3A_444 = arith.constant 0 : i32
        %dma_wait3A_445 = arith.constant 0 : i32
        %dma_wait3A_446 = tpu.memref_slice %arg8[%dma_wait3A_444, %dma_wait3A_445] : memref<10000x64xf32, #tpu.memory_space<vmem_shared>> -> memref<10000x64xf32, #tpu.memory_space<vmem_shared>>
        tpu.wait_indirect_dma semaphore(%run_scoped3A_428 : memref<!tpu.dma_semaphore, #tpu.memory_space<semaphore_mem>>) src(%dma_wait3A_440 : memref<80x64xf32, #tpu.memory_space<vmem>>) dst(%dma_wait3A_446 : memref<10000x64xf32, #tpu.memory_space<vmem_shared>>)
        tpu.yield
      }) : () -> ()
      %run_scoped3A_418 = arith.constant 12 : i32
      "tpu.region"() ({
        %run_scoped3A_428 = tpu.sem_alloc : memref<!tpu.dma_semaphore, #tpu.memory_space<semaphore_mem>>
        %dma_start3A_429 = arith.constant 960 : i32
        %dma_start3A_430 = arith.constant 0 : i32
        %dma_start3A_431 = tpu.memref_slice %arg6[%dma_start3A_429, %dma_start3A_430] : memref<1200x64xf32, #tpu.memory_space<vmem>> -> memref<80x64xf32, #tpu.memory_space<vmem>>
        %dma_start3A_432 = arith.constant 0 : i32
        %dma_start3A_433 = tpu.memref_slice %arg5[%run_scoped3A_418, %dma_start3A_432] : memref<15x80xi32, #tpu.memory_space<vmem>> -> memref<1x80xi32, #tpu.memory_space<vmem>>
        %dma_start3A_434 = tpu.memref_squeeze %dma_start3A_433 : memref<1x80xi32, #tpu.memory_space<vmem>> -> memref<80xi32, #tpu.memory_space<vmem>>
        %dma_start3A_435 = arith.constant 0 : i32
        %dma_start3A_436 = arith.constant 0 : i32
        %dma_start3A_437 = tpu.memref_slice %arg8[%dma_start3A_435, %dma_start3A_436] : memref<10000x64xf32, #tpu.memory_space<vmem_shared>> -> memref<10000x64xf32, #tpu.memory_space<vmem_shared>>
        tpu.enqueue_indirect_dma source(%dma_start3A_431 : memref<80x64xf32, #tpu.memory_space<vmem>>) target(%dma_start3A_437 : memref<10000x64xf32, #tpu.memory_space<vmem_shared>>) offsets(%dma_start3A_434 : memref<80xi32, #tpu.memory_space<vmem>>) semaphore(%run_scoped3A_428 : memref<!tpu.dma_semaphore, #tpu.memory_space<semaphore_mem>>) {add = true}
        %dma_wait3A_438 = arith.constant 960 : i32
        %dma_wait3A_439 = arith.constant 0 : i32
        %dma_wait3A_440 = tpu.memref_slice %arg6[%dma_wait3A_438, %dma_wait3A_439] : memref<1200x64xf32, #tpu.memory_space<vmem>> -> memref<80x64xf32, #tpu.memory_space<vmem>>
        %dma_wait3A_441 = arith.constant 0 : i32
        %dma_wait3A_442 = tpu.memref_slice %arg5[%run_scoped3A_418, %dma_wait3A_441] : memref<15x80xi32, #tpu.memory_space<vmem>> -> memref<1x80xi32, #tpu.memory_space<vmem>>
        %dma_wait3A_443 = tpu.memref_squeeze %dma_wait3A_442 : memref<1x80xi32, #tpu.memory_space<vmem>> -> memref<80xi32, #tpu.memory_space<vmem>>
        %dma_wait3A_444 = arith.constant 0 : i32
        %dma_wait3A_445 = arith.constant 0 : i32
        %dma_wait3A_446 = tpu.memref_slice %arg8[%dma_wait3A_444, %dma_wait3A_445] : memref<10000x64xf32, #tpu.memory_space<vmem_shared>> -> memref<10000x64xf32, #tpu.memory_space<vmem_shared>>
        tpu.wait_indirect_dma semaphore(%run_scoped3A_428 : memref<!tpu.dma_semaphore, #tpu.memory_space<semaphore_mem>>) src(%dma_wait3A_440 : memref<80x64xf32, #tpu.memory_space<vmem>>) dst(%dma_wait3A_446 : memref<10000x64xf32, #tpu.memory_space<vmem_shared>>)
        tpu.yield
      }) : () -> ()
      %run_scoped3A_419 = arith.constant 13 : i32
      "tpu.region"() ({
        %run_scoped3A_428 = tpu.sem_alloc : memref<!tpu.dma_semaphore, #tpu.memory_space<semaphore_mem>>
        %dma_start3A_429 = arith.constant 1040 : i32
        %dma_start3A_430 = arith.constant 0 : i32
        %dma_start3A_431 = tpu.memref_slice %arg6[%dma_start3A_429, %dma_start3A_430] : memref<1200x64xf32, #tpu.memory_space<vmem>> -> memref<80x64xf32, #tpu.memory_space<vmem>>
        %dma_start3A_432 = arith.constant 0 : i32
        %dma_start3A_433 = tpu.memref_slice %arg5[%run_scoped3A_419, %dma_start3A_432] : memref<15x80xi32, #tpu.memory_space<vmem>> -> memref<1x80xi32, #tpu.memory_space<vmem>>
        %dma_start3A_434 = tpu.memref_squeeze %dma_start3A_433 : memref<1x80xi32, #tpu.memory_space<vmem>> -> memref<80xi32, #tpu.memory_space<vmem>>
        %dma_start3A_435 = arith.constant 0 : i32
        %dma_start3A_436 = arith.constant 0 : i32
        %dma_start3A_437 = tpu.memref_slice %arg8[%dma_start3A_435, %dma_start3A_436] : memref<10000x64xf32, #tpu.memory_space<vmem_shared>> -> memref<10000x64xf32, #tpu.memory_space<vmem_shared>>
        tpu.enqueue_indirect_dma source(%dma_start3A_431 : memref<80x64xf32, #tpu.memory_space<vmem>>) target(%dma_start3A_437 : memref<10000x64xf32, #tpu.memory_space<vmem_shared>>) offsets(%dma_start3A_434 : memref<80xi32, #tpu.memory_space<vmem>>) semaphore(%run_scoped3A_428 : memref<!tpu.dma_semaphore, #tpu.memory_space<semaphore_mem>>) {add = true}
        %dma_wait3A_438 = arith.constant 1040 : i32
        %dma_wait3A_439 = arith.constant 0 : i32
        %dma_wait3A_440 = tpu.memref_slice %arg6[%dma_wait3A_438, %dma_wait3A_439] : memref<1200x64xf32, #tpu.memory_space<vmem>> -> memref<80x64xf32, #tpu.memory_space<vmem>>
        %dma_wait3A_441 = arith.constant 0 : i32
        %dma_wait3A_442 = tpu.memref_slice %arg5[%run_scoped3A_419, %dma_wait3A_441] : memref<15x80xi32, #tpu.memory_space<vmem>> -> memref<1x80xi32, #tpu.memory_space<vmem>>
        %dma_wait3A_443 = tpu.memref_squeeze %dma_wait3A_442 : memref<1x80xi32, #tpu.memory_space<vmem>> -> memref<80xi32, #tpu.memory_space<vmem>>
        %dma_wait3A_444 = arith.constant 0 : i32
        %dma_wait3A_445 = arith.constant 0 : i32
        %dma_wait3A_446 = tpu.memref_slice %arg8[%dma_wait3A_444, %dma_wait3A_445] : memref<10000x64xf32, #tpu.memory_space<vmem_shared>> -> memref<10000x64xf32, #tpu.memory_space<vmem_shared>>
        tpu.wait_indirect_dma semaphore(%run_scoped3A_428 : memref<!tpu.dma_semaphore, #tpu.memory_space<semaphore_mem>>) src(%dma_wait3A_440 : memref<80x64xf32, #tpu.memory_space<vmem>>) dst(%dma_wait3A_446 : memref<10000x64xf32, #tpu.memory_space<vmem_shared>>)
        tpu.yield
      }) : () -> ()
      %run_scoped3A_420 = arith.constant 14 : i32
      "tpu.region"() ({
        %run_scoped3A_428 = tpu.sem_alloc : memref<!tpu.dma_semaphore, #tpu.memory_space<semaphore_mem>>
        %dma_start3A_429 = arith.constant 1120 : i32
        %dma_start3A_430 = arith.constant 0 : i32
        %dma_start3A_431 = tpu.memref_slice %arg6[%dma_start3A_429, %dma_start3A_430] : memref<1200x64xf32, #tpu.memory_space<vmem>> -> memref<80x64xf32, #tpu.memory_space<vmem>>
        %dma_start3A_432 = arith.constant 0 : i32
        %dma_start3A_433 = tpu.memref_slice %arg5[%run_scoped3A_420, %dma_start3A_432] : memref<15x80xi32, #tpu.memory_space<vmem>> -> memref<1x80xi32, #tpu.memory_space<vmem>>
        %dma_start3A_434 = tpu.memref_squeeze %dma_start3A_433 : memref<1x80xi32, #tpu.memory_space<vmem>> -> memref<80xi32, #tpu.memory_space<vmem>>
        %dma_start3A_435 = arith.constant 0 : i32
        %dma_start3A_436 = arith.constant 0 : i32
        %dma_start3A_437 = tpu.memref_slice %arg8[%dma_start3A_435, %dma_start3A_436] : memref<10000x64xf32, #tpu.memory_space<vmem_shared>> -> memref<10000x64xf32, #tpu.memory_space<vmem_shared>>
        tpu.enqueue_indirect_dma source(%dma_start3A_431 : memref<80x64xf32, #tpu.memory_space<vmem>>) target(%dma_start3A_437 : memref<10000x64xf32, #tpu.memory_space<vmem_shared>>) offsets(%dma_start3A_434 : memref<80xi32, #tpu.memory_space<vmem>>) semaphore(%run_scoped3A_428 : memref<!tpu.dma_semaphore, #tpu.memory_space<semaphore_mem>>) {add = true}
        %dma_wait3A_438 = arith.constant 1120 : i32
        %dma_wait3A_439 = arith.constant 0 : i32
        %dma_wait3A_440 = tpu.memref_slice %arg6[%dma_wait3A_438, %dma_wait3A_439] : memref<1200x64xf32, #tpu.memory_space<vmem>> -> memref<80x64xf32, #tpu.memory_space<vmem>>
        %dma_wait3A_441 = arith.constant 0 : i32
        %dma_wait3A_442 = tpu.memref_slice %arg5[%run_scoped3A_420, %dma_wait3A_441] : memref<15x80xi32, #tpu.memory_space<vmem>> -> memref<1x80xi32, #tpu.memory_space<vmem>>
        %dma_wait3A_443 = tpu.memref_squeeze %dma_wait3A_442 : memref<1x80xi32, #tpu.memory_space<vmem>> -> memref<80xi32, #tpu.memory_space<vmem>>
        %dma_wait3A_444 = arith.constant 0 : i32
        %dma_wait3A_445 = arith.constant 0 : i32
        %dma_wait3A_446 = tpu.memref_slice %arg8[%dma_wait3A_444, %dma_wait3A_445] : memref<10000x64xf32, #tpu.memory_space<vmem_shared>> -> memref<10000x64xf32, #tpu.memory_space<vmem_shared>>
        tpu.wait_indirect_dma semaphore(%run_scoped3A_428 : memref<!tpu.dma_semaphore, #tpu.memory_space<semaphore_mem>>) src(%dma_wait3A_440 : memref<80x64xf32, #tpu.memory_space<vmem>>) dst(%dma_wait3A_446 : memref<10000x64xf32, #tpu.memory_space<vmem_shared>>)
        tpu.yield
      }) : () -> ()
      %add3A_421 = arith.constant 3 : i32
      %add3A_422 = arith.addi %add3A_385, %add3A_421 : i32
      %lt3A_423 = arith.constant 50 : i32
      %lt3A_424 = arith.cmpi slt, %add3A_422, %lt3A_423 : i32
      %convert_element_type3A_425 = arith.extui %lt3A_424 : i1 to i32
      %cond3A_426 = arith.constant 0 : i32
      %cond3A_427 = arith.cmpi ne, %convert_element_type3A_425, %cond3A_426 : i32
      scf.if %cond3A_427 {
        %mul3A_428 = arith.constant 400 : i32
        %mul3A_429 = arith.muli %add3A_422, %mul3A_428 : i32
        %add3A_430 = arith.addi %mul3A_4, %mul3A_429 : i32
        %dma_start3A_431 = arith.constant 2 : i32
        %dma_start3A_432 = arith.constant 800 : i32
        %dma_start3A_433 = arith.constant 0 : i32
        %dma_start3A_434 = tpu.memref_slice %arg6[%dma_start3A_432, %dma_start3A_433] : memref<1200x64xf32, #tpu.memory_space<vmem>> -> memref<400x64xf32, #tpu.memory_space<vmem>>
        %dma_start3A_435 = tpu.memref_slice %arg2[%add3A_430, %mul3A_2] : memref<320000x128xf32, #tpu.memory_space<hbm>> -> memref<400x64xf32, #tpu.memory_space<hbm>>
        %dma_start3A_436 = tpu.memref_slice %arg9[%dma_start3A_431] : memref<3x!tpu.dma_semaphore, #tpu.memory_space<semaphore_mem>> -> memref<1x!tpu.dma_semaphore, #tpu.memory_space<semaphore_mem>>
        %dma_start3A_437 = tpu.memref_squeeze %dma_start3A_436 : memref<1x!tpu.dma_semaphore, #tpu.memory_space<semaphore_mem>> -> memref<!tpu.dma_semaphore, #tpu.memory_space<semaphore_mem>>
        %dma_start3A_438 = arith.constant 800 : i32
        %dma_start3A_439 = arith.constant 0 : i32
        %dma_start3A_440 = tpu.memref_slice %arg6[%dma_start3A_438, %dma_start3A_439] : memref<1200x64xf32, #tpu.memory_space<vmem>> -> memref<400x64xf32, #tpu.memory_space<vmem>>
        %dma_start3A_441 = tpu.memref_slice %arg2[%add3A_430, %mul3A_2] : memref<320000x128xf32, #tpu.memory_space<hbm>> -> memref<400x64xf32, #tpu.memory_space<hbm>>
        tpu.enqueue_dma source(%dma_start3A_441 : memref<400x64xf32, #tpu.memory_space<hbm>>) target(%dma_start3A_440 : memref<400x64xf32, #tpu.memory_space<vmem>>) target_semaphore(%dma_start3A_437 : memref<!tpu.dma_semaphore, #tpu.memory_space<semaphore_mem>>)
        %mul3A_442 = arith.constant 5 : i32
        %mul3A_443 = arith.muli %add3A_422, %mul3A_442 : i32
        %add3A_444 = arith.addi %mul3A_6, %mul3A_443 : i32
        %dma_start3A_445 = arith.constant 2 : i32
        %dma_start3A_446 = arith.constant 10 : i32
        %dma_start3A_447 = arith.constant 0 : i32
        %dma_start3A_448 = tpu.memref_slice %arg5[%dma_start3A_446, %dma_start3A_447] : memref<15x80xi32, #tpu.memory_space<vmem>> -> memref<5x80xi32, #tpu.memory_space<vmem>>
        %dma_start3A_449 = arith.constant 0 : i32
        %dma_start3A_450 = tpu.memref_slice %arg3[%add3A_444, %dma_start3A_449] : memref<4000x80xi32, #tpu.memory_space<hbm>> -> memref<5x80xi32, #tpu.memory_space<hbm>>
        %dma_start3A_451 = tpu.memref_slice %arg10[%dma_start3A_445] : memref<3x!tpu.dma_semaphore, #tpu.memory_space<semaphore_mem>> -> memref<1x!tpu.dma_semaphore, #tpu.memory_space<semaphore_mem>>
        %dma_start3A_452 = tpu.memref_squeeze %dma_start3A_451 : memref<1x!tpu.dma_semaphore, #tpu.memory_space<semaphore_mem>> -> memref<!tpu.dma_semaphore, #tpu.memory_space<semaphore_mem>>
        %dma_start3A_453 = arith.constant 10 : i32
        %dma_start3A_454 = arith.constant 0 : i32
        %dma_start3A_455 = tpu.memref_slice %arg5[%dma_start3A_453, %dma_start3A_454] : memref<15x80xi32, #tpu.memory_space<vmem>> -> memref<5x80xi32, #tpu.memory_space<vmem>>
        %dma_start3A_456 = arith.constant 0 : i32
        %dma_start3A_457 = tpu.memref_slice %arg3[%add3A_444, %dma_start3A_456] : memref<4000x80xi32, #tpu.memory_space<hbm>> -> memref<5x80xi32, #tpu.memory_space<hbm>>
        tpu.enqueue_dma source(%dma_start3A_457 : memref<5x80xi32, #tpu.memory_space<hbm>>) target(%dma_start3A_455 : memref<5x80xi32, #tpu.memory_space<vmem>>) target_semaphore(%dma_start3A_452 : memref<!tpu.dma_semaphore, #tpu.memory_space<semaphore_mem>>)
      } else {
      }
    }
    %scan3A_110 = arith.constant 16 : i32
    %dma_wait3A = arith.constant 0 : i32
    %dma_wait3A_111 = arith.constant 0 : i32
    %dma_wait3A_112 = arith.constant 0 : i32
    %dma_wait3A_113 = tpu.memref_slice %arg6[%dma_wait3A_111, %dma_wait3A_112] : memref<1200x64xf32, #tpu.memory_space<vmem>> -> memref<400x64xf32, #tpu.memory_space<vmem>>
    %dma_wait3A_114 = arith.constant 0 : i32
    %dma_wait3A_115 = arith.constant 0 : i32
    %dma_wait3A_116 = tpu.memref_slice %arg2[%dma_wait3A_114, %dma_wait3A_115] : memref<320000x128xf32, #tpu.memory_space<hbm>> -> memref<400x64xf32, #tpu.memory_space<hbm>>
    %dma_wait3A_117 = tpu.memref_slice %arg9[%dma_wait3A] : memref<3x!tpu.dma_semaphore, #tpu.memory_space<semaphore_mem>> -> memref<1x!tpu.dma_semaphore, #tpu.memory_space<semaphore_mem>>
    %dma_wait3A_118 = tpu.memref_squeeze %dma_wait3A_117 : memref<1x!tpu.dma_semaphore, #tpu.memory_space<semaphore_mem>> -> memref<!tpu.dma_semaphore, #tpu.memory_space<semaphore_mem>>
    %dma_wait3A_119 = arith.constant 0 : i32
    %dma_wait3A_120 = arith.constant 0 : i32
    %dma_wait3A_121 = tpu.memref_slice %arg6[%dma_wait3A_119, %dma_wait3A_120] : memref<1200x64xf32, #tpu.memory_space<vmem>> -> memref<400x64xf32, #tpu.memory_space<vmem>>
    %dma_wait3A_122 = arith.constant 0 : i32
    %dma_wait3A_123 = arith.constant 0 : i32
    %dma_wait3A_124 = tpu.memref_slice %arg2[%dma_wait3A_122, %dma_wait3A_123] : memref<320000x128xf32, #tpu.memory_space<hbm>> -> memref<400x64xf32, #tpu.memory_space<hbm>>
    tpu.wait_dma2 semaphore(%dma_wait3A_118 : memref<!tpu.dma_semaphore, #tpu.memory_space<semaphore_mem>>) src(%dma_wait3A_124 : memref<400x64xf32, #tpu.memory_space<hbm>>) dst(%dma_wait3A_121 : memref<400x64xf32, #tpu.memory_space<vmem>>)
    %dma_wait3A_125 = arith.constant 0 : i32
    %dma_wait3A_126 = arith.constant 0 : i32
    %dma_wait3A_127 = arith.constant 0 : i32
    %dma_wait3A_128 = tpu.memref_slice %arg5[%dma_wait3A_126, %dma_wait3A_127] : memref<15x80xi32, #tpu.memory_space<vmem>> -> memref<5x80xi32, #tpu.memory_space<vmem>>
    %dma_wait3A_129 = arith.constant 0 : i32
    %dma_wait3A_130 = arith.constant 0 : i32
    %dma_wait3A_131 = tpu.memref_slice %arg3[%dma_wait3A_129, %dma_wait3A_130] : memref<4000x80xi32, #tpu.memory_space<hbm>> -> memref<5x80xi32, #tpu.memory_space<hbm>>
    %dma_wait3A_132 = tpu.memref_slice %arg10[%dma_wait3A_125] : memref<3x!tpu.dma_semaphore, #tpu.memory_space<semaphore_mem>> -> memref<1x!tpu.dma_semaphore, #tpu.memory_space<semaphore_mem>>
    %dma_wait3A_133 = tpu.memref_squeeze %dma_wait3A_132 : memref<1x!tpu.dma_semaphore, #tpu.memory_space<semaphore_mem>> -> memref<!tpu.dma_semaphore, #tpu.memory_space<semaphore_mem>>
    %dma_wait3A_134 = arith.constant 0 : i32
    %dma_wait3A_135 = arith.constant 0 : i32
    %dma_wait3A_136 = tpu.memref_slice %arg5[%dma_wait3A_134, %dma_wait3A_135] : memref<15x80xi32, #tpu.memory_space<vmem>> -> memref<5x80xi32, #tpu.memory_space<vmem>>
    %dma_wait3A_137 = arith.constant 0 : i32
    %dma_wait3A_138 = arith.constant 0 : i32
    %dma_wait3A_139 = tpu.memref_slice %arg3[%dma_wait3A_137, %dma_wait3A_138] : memref<4000x80xi32, #tpu.memory_space<hbm>> -> memref<5x80xi32, #tpu.memory_space<hbm>>
    tpu.wait_dma2 semaphore(%dma_wait3A_133 : memref<!tpu.dma_semaphore, #tpu.memory_space<semaphore_mem>>) src(%dma_wait3A_139 : memref<5x80xi32, #tpu.memory_space<hbm>>) dst(%dma_wait3A_136 : memref<5x80xi32, #tpu.memory_space<vmem>>)
    %run_scoped3A = arith.constant 0 : i32
    "tpu.region"() ({
      %run_scoped3A_292 = tpu.sem_alloc : memref<!tpu.dma_semaphore, #tpu.memory_space<semaphore_mem>>
      %dma_start3A_293 = arith.constant 0 : i32
      %dma_start3A_294 = arith.constant 0 : i32
      %dma_start3A_295 = tpu.memref_slice %arg6[%dma_start3A_293, %dma_start3A_294] : memref<1200x64xf32, #tpu.memory_space<vmem>> -> memref<80x64xf32, #tpu.memory_space<vmem>>
      %dma_start3A_296 = arith.constant 0 : i32
      %dma_start3A_297 = tpu.memref_slice %arg5[%run_scoped3A, %dma_start3A_296] : memref<15x80xi32, #tpu.memory_space<vmem>> -> memref<1x80xi32, #tpu.memory_space<vmem>>
      %dma_start3A_298 = tpu.memref_squeeze %dma_start3A_297 : memref<1x80xi32, #tpu.memory_space<vmem>> -> memref<80xi32, #tpu.memory_space<vmem>>
      %dma_start3A_299 = arith.constant 0 : i32
      %dma_start3A_300 = arith.constant 0 : i32
      %dma_start3A_301 = tpu.memref_slice %arg8[%dma_start3A_299, %dma_start3A_300] : memref<10000x64xf32, #tpu.memory_space<vmem_shared>> -> memref<10000x64xf32, #tpu.memory_space<vmem_shared>>
      tpu.enqueue_indirect_dma source(%dma_start3A_295 : memref<80x64xf32, #tpu.memory_space<vmem>>) target(%dma_start3A_301 : memref<10000x64xf32, #tpu.memory_space<vmem_shared>>) offsets(%dma_start3A_298 : memref<80xi32, #tpu.memory_space<vmem>>) semaphore(%run_scoped3A_292 : memref<!tpu.dma_semaphore, #tpu.memory_space<semaphore_mem>>) {add = true}
      %dma_wait3A_302 = arith.constant 0 : i32
      %dma_wait3A_303 = arith.constant 0 : i32
      %dma_wait3A_304 = tpu.memref_slice %arg6[%dma_wait3A_302, %dma_wait3A_303] : memref<1200x64xf32, #tpu.memory_space<vmem>> -> memref<80x64xf32, #tpu.memory_space<vmem>>
      %dma_wait3A_305 = arith.constant 0 : i32
      %dma_wait3A_306 = tpu.memref_slice %arg5[%run_scoped3A, %dma_wait3A_305] : memref<15x80xi32, #tpu.memory_space<vmem>> -> memref<1x80xi32, #tpu.memory_space<vmem>>
      %dma_wait3A_307 = tpu.memref_squeeze %dma_wait3A_306 : memref<1x80xi32, #tpu.memory_space<vmem>> -> memref<80xi32, #tpu.memory_space<vmem>>
      %dma_wait3A_308 = arith.constant 0 : i32
      %dma_wait3A_309 = arith.constant 0 : i32
      %dma_wait3A_310 = tpu.memref_slice %arg8[%dma_wait3A_308, %dma_wait3A_309] : memref<10000x64xf32, #tpu.memory_space<vmem_shared>> -> memref<10000x64xf32, #tpu.memory_space<vmem_shared>>
      tpu.wait_indirect_dma semaphore(%run_scoped3A_292 : memref<!tpu.dma_semaphore, #tpu.memory_space<semaphore_mem>>) src(%dma_wait3A_304 : memref<80x64xf32, #tpu.memory_space<vmem>>) dst(%dma_wait3A_310 : memref<10000x64xf32, #tpu.memory_space<vmem_shared>>)
      tpu.yield
    }) : () -> ()
    %run_scoped3A_140 = arith.constant 1 : i32
    "tpu.region"() ({
      %run_scoped3A_292 = tpu.sem_alloc : memref<!tpu.dma_semaphore, #tpu.memory_space<semaphore_mem>>
      %dma_start3A_293 = arith.constant 80 : i32
      %dma_start3A_294 = arith.constant 0 : i32
      %dma_start3A_295 = tpu.memref_slice %arg6[%dma_start3A_293, %dma_start3A_294] : memref<1200x64xf32, #tpu.memory_space<vmem>> -> memref<80x64xf32, #tpu.memory_space<vmem>>
      %dma_start3A_296 = arith.constant 0 : i32
      %dma_start3A_297 = tpu.memref_slice %arg5[%run_scoped3A_140, %dma_start3A_296] : memref<15x80xi32, #tpu.memory_space<vmem>> -> memref<1x80xi32, #tpu.memory_space<vmem>>
      %dma_start3A_298 = tpu.memref_squeeze %dma_start3A_297 : memref<1x80xi32, #tpu.memory_space<vmem>> -> memref<80xi32, #tpu.memory_space<vmem>>
      %dma_start3A_299 = arith.constant 0 : i32
      %dma_start3A_300 = arith.constant 0 : i32
      %dma_start3A_301 = tpu.memref_slice %arg8[%dma_start3A_299, %dma_start3A_300] : memref<10000x64xf32, #tpu.memory_space<vmem_shared>> -> memref<10000x64xf32, #tpu.memory_space<vmem_shared>>
      tpu.enqueue_indirect_dma source(%dma_start3A_295 : memref<80x64xf32, #tpu.memory_space<vmem>>) target(%dma_start3A_301 : memref<10000x64xf32, #tpu.memory_space<vmem_shared>>) offsets(%dma_start3A_298 : memref<80xi32, #tpu.memory_space<vmem>>) semaphore(%run_scoped3A_292 : memref<!tpu.dma_semaphore, #tpu.memory_space<semaphore_mem>>) {add = true}
      %dma_wait3A_302 = arith.constant 80 : i32
      %dma_wait3A_303 = arith.constant 0 : i32
      %dma_wait3A_304 = tpu.memref_slice %arg6[%dma_wait3A_302, %dma_wait3A_303] : memref<1200x64xf32, #tpu.memory_space<vmem>> -> memref<80x64xf32, #tpu.memory_space<vmem>>
      %dma_wait3A_305 = arith.constant 0 : i32
      %dma_wait3A_306 = tpu.memref_slice %arg5[%run_scoped3A_140, %dma_wait3A_305] : memref<15x80xi32, #tpu.memory_space<vmem>> -> memref<1x80xi32, #tpu.memory_space<vmem>>
      %dma_wait3A_307 = tpu.memref_squeeze %dma_wait3A_306 : memref<1x80xi32, #tpu.memory_space<vmem>> -> memref<80xi32, #tpu.memory_space<vmem>>
      %dma_wait3A_308 = arith.constant 0 : i32
      %dma_wait3A_309 = arith.constant 0 : i32
      %dma_wait3A_310 = tpu.memref_slice %arg8[%dma_wait3A_308, %dma_wait3A_309] : memref<10000x64xf32, #tpu.memory_space<vmem_shared>> -> memref<10000x64xf32, #tpu.memory_space<vmem_shared>>
      tpu.wait_indirect_dma semaphore(%run_scoped3A_292 : memref<!tpu.dma_semaphore, #tpu.memory_space<semaphore_mem>>) src(%dma_wait3A_304 : memref<80x64xf32, #tpu.memory_space<vmem>>) dst(%dma_wait3A_310 : memref<10000x64xf32, #tpu.memory_space<vmem_shared>>)
      tpu.yield
    }) : () -> ()
    %run_scoped3A_141 = arith.constant 2 : i32
    "tpu.region"() ({
      %run_scoped3A_292 = tpu.sem_alloc : memref<!tpu.dma_semaphore, #tpu.memory_space<semaphore_mem>>
      %dma_start3A_293 = arith.constant 160 : i32
      %dma_start3A_294 = arith.constant 0 : i32
      %dma_start3A_295 = tpu.memref_slice %arg6[%dma_start3A_293, %dma_start3A_294] : memref<1200x64xf32, #tpu.memory_space<vmem>> -> memref<80x64xf32, #tpu.memory_space<vmem>>
      %dma_start3A_296 = arith.constant 0 : i32
      %dma_start3A_297 = tpu.memref_slice %arg5[%run_scoped3A_141, %dma_start3A_296] : memref<15x80xi32, #tpu.memory_space<vmem>> -> memref<1x80xi32, #tpu.memory_space<vmem>>
      %dma_start3A_298 = tpu.memref_squeeze %dma_start3A_297 : memref<1x80xi32, #tpu.memory_space<vmem>> -> memref<80xi32, #tpu.memory_space<vmem>>
      %dma_start3A_299 = arith.constant 0 : i32
      %dma_start3A_300 = arith.constant 0 : i32
      %dma_start3A_301 = tpu.memref_slice %arg8[%dma_start3A_299, %dma_start3A_300] : memref<10000x64xf32, #tpu.memory_space<vmem_shared>> -> memref<10000x64xf32, #tpu.memory_space<vmem_shared>>
      tpu.enqueue_indirect_dma source(%dma_start3A_295 : memref<80x64xf32, #tpu.memory_space<vmem>>) target(%dma_start3A_301 : memref<10000x64xf32, #tpu.memory_space<vmem_shared>>) offsets(%dma_start3A_298 : memref<80xi32, #tpu.memory_space<vmem>>) semaphore(%run_scoped3A_292 : memref<!tpu.dma_semaphore, #tpu.memory_space<semaphore_mem>>) {add = true}
      %dma_wait3A_302 = arith.constant 160 : i32
      %dma_wait3A_303 = arith.constant 0 : i32
      %dma_wait3A_304 = tpu.memref_slice %arg6[%dma_wait3A_302, %dma_wait3A_303] : memref<1200x64xf32, #tpu.memory_space<vmem>> -> memref<80x64xf32, #tpu.memory_space<vmem>>
      %dma_wait3A_305 = arith.constant 0 : i32
      %dma_wait3A_306 = tpu.memref_slice %arg5[%run_scoped3A_141, %dma_wait3A_305] : memref<15x80xi32, #tpu.memory_space<vmem>> -> memref<1x80xi32, #tpu.memory_space<vmem>>
      %dma_wait3A_307 = tpu.memref_squeeze %dma_wait3A_306 : memref<1x80xi32, #tpu.memory_space<vmem>> -> memref<80xi32, #tpu.memory_space<vmem>>
      %dma_wait3A_308 = arith.constant 0 : i32
      %dma_wait3A_309 = arith.constant 0 : i32
      %dma_wait3A_310 = tpu.memref_slice %arg8[%dma_wait3A_308, %dma_wait3A_309] : memref<10000x64xf32, #tpu.memory_space<vmem_shared>> -> memref<10000x64xf32, #tpu.memory_space<vmem_shared>>
      tpu.wait_indirect_dma semaphore(%run_scoped3A_292 : memref<!tpu.dma_semaphore, #tpu.memory_space<semaphore_mem>>) src(%dma_wait3A_304 : memref<80x64xf32, #tpu.memory_space<vmem>>) dst(%dma_wait3A_310 : memref<10000x64xf32, #tpu.memory_space<vmem_shared>>)
      tpu.yield
    }) : () -> ()
    %run_scoped3A_142 = arith.constant 3 : i32
    "tpu.region"() ({
      %run_scoped3A_292 = tpu.sem_alloc : memref<!tpu.dma_semaphore, #tpu.memory_space<semaphore_mem>>
      %dma_start3A_293 = arith.constant 240 : i32
      %dma_start3A_294 = arith.constant 0 : i32
      %dma_start3A_295 = tpu.memref_slice %arg6[%dma_start3A_293, %dma_start3A_294] : memref<1200x64xf32, #tpu.memory_space<vmem>> -> memref<80x64xf32, #tpu.memory_space<vmem>>
      %dma_start3A_296 = arith.constant 0 : i32
      %dma_start3A_297 = tpu.memref_slice %arg5[%run_scoped3A_142, %dma_start3A_296] : memref<15x80xi32, #tpu.memory_space<vmem>> -> memref<1x80xi32, #tpu.memory_space<vmem>>
      %dma_start3A_298 = tpu.memref_squeeze %dma_start3A_297 : memref<1x80xi32, #tpu.memory_space<vmem>> -> memref<80xi32, #tpu.memory_space<vmem>>
      %dma_start3A_299 = arith.constant 0 : i32
      %dma_start3A_300 = arith.constant 0 : i32
      %dma_start3A_301 = tpu.memref_slice %arg8[%dma_start3A_299, %dma_start3A_300] : memref<10000x64xf32, #tpu.memory_space<vmem_shared>> -> memref<10000x64xf32, #tpu.memory_space<vmem_shared>>
      tpu.enqueue_indirect_dma source(%dma_start3A_295 : memref<80x64xf32, #tpu.memory_space<vmem>>) target(%dma_start3A_301 : memref<10000x64xf32, #tpu.memory_space<vmem_shared>>) offsets(%dma_start3A_298 : memref<80xi32, #tpu.memory_space<vmem>>) semaphore(%run_scoped3A_292 : memref<!tpu.dma_semaphore, #tpu.memory_space<semaphore_mem>>) {add = true}
      %dma_wait3A_302 = arith.constant 240 : i32
      %dma_wait3A_303 = arith.constant 0 : i32
      %dma_wait3A_304 = tpu.memref_slice %arg6[%dma_wait3A_302, %dma_wait3A_303] : memref<1200x64xf32, #tpu.memory_space<vmem>> -> memref<80x64xf32, #tpu.memory_space<vmem>>
      %dma_wait3A_305 = arith.constant 0 : i32
      %dma_wait3A_306 = tpu.memref_slice %arg5[%run_scoped3A_142, %dma_wait3A_305] : memref<15x80xi32, #tpu.memory_space<vmem>> -> memref<1x80xi32, #tpu.memory_space<vmem>>
      %dma_wait3A_307 = tpu.memref_squeeze %dma_wait3A_306 : memref<1x80xi32, #tpu.memory_space<vmem>> -> memref<80xi32, #tpu.memory_space<vmem>>
      %dma_wait3A_308 = arith.constant 0 : i32
      %dma_wait3A_309 = arith.constant 0 : i32
      %dma_wait3A_310 = tpu.memref_slice %arg8[%dma_wait3A_308, %dma_wait3A_309] : memref<10000x64xf32, #tpu.memory_space<vmem_shared>> -> memref<10000x64xf32, #tpu.memory_space<vmem_shared>>
      tpu.wait_indirect_dma semaphore(%run_scoped3A_292 : memref<!tpu.dma_semaphore, #tpu.memory_space<semaphore_mem>>) src(%dma_wait3A_304 : memref<80x64xf32, #tpu.memory_space<vmem>>) dst(%dma_wait3A_310 : memref<10000x64xf32, #tpu.memory_space<vmem_shared>>)
      tpu.yield
    }) : () -> ()
    %run_scoped3A_143 = arith.constant 4 : i32
    "tpu.region"() ({
      %run_scoped3A_292 = tpu.sem_alloc : memref<!tpu.dma_semaphore, #tpu.memory_space<semaphore_mem>>
      %dma_start3A_293 = arith.constant 320 : i32
      %dma_start3A_294 = arith.constant 0 : i32
      %dma_start3A_295 = tpu.memref_slice %arg6[%dma_start3A_293, %dma_start3A_294] : memref<1200x64xf32, #tpu.memory_space<vmem>> -> memref<80x64xf32, #tpu.memory_space<vmem>>
      %dma_start3A_296 = arith.constant 0 : i32
      %dma_start3A_297 = tpu.memref_slice %arg5[%run_scoped3A_143, %dma_start3A_296] : memref<15x80xi32, #tpu.memory_space<vmem>> -> memref<1x80xi32, #tpu.memory_space<vmem>>
      %dma_start3A_298 = tpu.memref_squeeze %dma_start3A_297 : memref<1x80xi32, #tpu.memory_space<vmem>> -> memref<80xi32, #tpu.memory_space<vmem>>
      %dma_start3A_299 = arith.constant 0 : i32
      %dma_start3A_300 = arith.constant 0 : i32
      %dma_start3A_301 = tpu.memref_slice %arg8[%dma_start3A_299, %dma_start3A_300] : memref<10000x64xf32, #tpu.memory_space<vmem_shared>> -> memref<10000x64xf32, #tpu.memory_space<vmem_shared>>
      tpu.enqueue_indirect_dma source(%dma_start3A_295 : memref<80x64xf32, #tpu.memory_space<vmem>>) target(%dma_start3A_301 : memref<10000x64xf32, #tpu.memory_space<vmem_shared>>) offsets(%dma_start3A_298 : memref<80xi32, #tpu.memory_space<vmem>>) semaphore(%run_scoped3A_292 : memref<!tpu.dma_semaphore, #tpu.memory_space<semaphore_mem>>) {add = true}
      %dma_wait3A_302 = arith.constant 320 : i32
      %dma_wait3A_303 = arith.constant 0 : i32
      %dma_wait3A_304 = tpu.memref_slice %arg6[%dma_wait3A_302, %dma_wait3A_303] : memref<1200x64xf32, #tpu.memory_space<vmem>> -> memref<80x64xf32, #tpu.memory_space<vmem>>
      %dma_wait3A_305 = arith.constant 0 : i32
      %dma_wait3A_306 = tpu.memref_slice %arg5[%run_scoped3A_143, %dma_wait3A_305] : memref<15x80xi32, #tpu.memory_space<vmem>> -> memref<1x80xi32, #tpu.memory_space<vmem>>
      %dma_wait3A_307 = tpu.memref_squeeze %dma_wait3A_306 : memref<1x80xi32, #tpu.memory_space<vmem>> -> memref<80xi32, #tpu.memory_space<vmem>>
      %dma_wait3A_308 = arith.constant 0 : i32
      %dma_wait3A_309 = arith.constant 0 : i32
      %dma_wait3A_310 = tpu.memref_slice %arg8[%dma_wait3A_308, %dma_wait3A_309] : memref<10000x64xf32, #tpu.memory_space<vmem_shared>> -> memref<10000x64xf32, #tpu.memory_space<vmem_shared>>
      tpu.wait_indirect_dma semaphore(%run_scoped3A_292 : memref<!tpu.dma_semaphore, #tpu.memory_space<semaphore_mem>>) src(%dma_wait3A_304 : memref<80x64xf32, #tpu.memory_space<vmem>>) dst(%dma_wait3A_310 : memref<10000x64xf32, #tpu.memory_space<vmem_shared>>)
      tpu.yield
    }) : () -> ()
    %dma_wait3A_144 = arith.constant 1 : i32
    %dma_wait3A_145 = arith.constant 400 : i32
    %dma_wait3A_146 = arith.constant 0 : i32
    %dma_wait3A_147 = tpu.memref_slice %arg6[%dma_wait3A_145, %dma_wait3A_146] : memref<1200x64xf32, #tpu.memory_space<vmem>> -> memref<400x64xf32, #tpu.memory_space<vmem>>
    %dma_wait3A_148 = arith.constant 0 : i32
    %dma_wait3A_149 = arith.constant 0 : i32
    %dma_wait3A_150 = tpu.memref_slice %arg2[%dma_wait3A_148, %dma_wait3A_149] : memref<320000x128xf32, #tpu.memory_space<hbm>> -> memref<400x64xf32, #tpu.memory_space<hbm>>
    %dma_wait3A_151 = tpu.memref_slice %arg9[%dma_wait3A_144] : memref<3x!tpu.dma_semaphore, #tpu.memory_space<semaphore_mem>> -> memref<1x!tpu.dma_semaphore, #tpu.memory_space<semaphore_mem>>
    %dma_wait3A_152 = tpu.memref_squeeze %dma_wait3A_151 : memref<1x!tpu.dma_semaphore, #tpu.memory_space<semaphore_mem>> -> memref<!tpu.dma_semaphore, #tpu.memory_space<semaphore_mem>>
    %dma_wait3A_153 = arith.constant 400 : i32
    %dma_wait3A_154 = arith.constant 0 : i32
    %dma_wait3A_155 = tpu.memref_slice %arg6[%dma_wait3A_153, %dma_wait3A_154] : memref<1200x64xf32, #tpu.memory_space<vmem>> -> memref<400x64xf32, #tpu.memory_space<vmem>>
    %dma_wait3A_156 = arith.constant 0 : i32
    %dma_wait3A_157 = arith.constant 0 : i32
    %dma_wait3A_158 = tpu.memref_slice %arg2[%dma_wait3A_156, %dma_wait3A_157] : memref<320000x128xf32, #tpu.memory_space<hbm>> -> memref<400x64xf32, #tpu.memory_space<hbm>>
    tpu.wait_dma2 semaphore(%dma_wait3A_152 : memref<!tpu.dma_semaphore, #tpu.memory_space<semaphore_mem>>) src(%dma_wait3A_158 : memref<400x64xf32, #tpu.memory_space<hbm>>) dst(%dma_wait3A_155 : memref<400x64xf32, #tpu.memory_space<vmem>>)
    %dma_wait3A_159 = arith.constant 1 : i32
    %dma_wait3A_160 = arith.constant 5 : i32
    %dma_wait3A_161 = arith.constant 0 : i32
    %dma_wait3A_162 = tpu.memref_slice %arg5[%dma_wait3A_160, %dma_wait3A_161] : memref<15x80xi32, #tpu.memory_space<vmem>> -> memref<5x80xi32, #tpu.memory_space<vmem>>
    %dma_wait3A_163 = arith.constant 0 : i32
    %dma_wait3A_164 = arith.constant 0 : i32
    %dma_wait3A_165 = tpu.memref_slice %arg3[%dma_wait3A_163, %dma_wait3A_164] : memref<4000x80xi32, #tpu.memory_space<hbm>> -> memref<5x80xi32, #tpu.memory_space<hbm>>
    %dma_wait3A_166 = tpu.memref_slice %arg10[%dma_wait3A_159] : memref<3x!tpu.dma_semaphore, #tpu.memory_space<semaphore_mem>> -> memref<1x!tpu.dma_semaphore, #tpu.memory_space<semaphore_mem>>
    %dma_wait3A_167 = tpu.memref_squeeze %dma_wait3A_166 : memref<1x!tpu.dma_semaphore, #tpu.memory_space<semaphore_mem>> -> memref<!tpu.dma_semaphore, #tpu.memory_space<semaphore_mem>>
    %dma_wait3A_168 = arith.constant 5 : i32
    %dma_wait3A_169 = arith.constant 0 : i32
    %dma_wait3A_170 = tpu.memref_slice %arg5[%dma_wait3A_168, %dma_wait3A_169] : memref<15x80xi32, #tpu.memory_space<vmem>> -> memref<5x80xi32, #tpu.memory_space<vmem>>
    %dma_wait3A_171 = arith.constant 0 : i32
    %dma_wait3A_172 = arith.constant 0 : i32
    %dma_wait3A_173 = tpu.memref_slice %arg3[%dma_wait3A_171, %dma_wait3A_172] : memref<4000x80xi32, #tpu.memory_space<hbm>> -> memref<5x80xi32, #tpu.memory_space<hbm>>
    tpu.wait_dma2 semaphore(%dma_wait3A_167 : memref<!tpu.dma_semaphore, #tpu.memory_space<semaphore_mem>>) src(%dma_wait3A_173 : memref<5x80xi32, #tpu.memory_space<hbm>>) dst(%dma_wait3A_170 : memref<5x80xi32, #tpu.memory_space<vmem>>)
    %run_scoped3A_174 = arith.constant 5 : i32
    "tpu.region"() ({
      %run_scoped3A_292 = tpu.sem_alloc : memref<!tpu.dma_semaphore, #tpu.memory_space<semaphore_mem>>
      %dma_start3A_293 = arith.constant 400 : i32
      %dma_start3A_294 = arith.constant 0 : i32
      %dma_start3A_295 = tpu.memref_slice %arg6[%dma_start3A_293, %dma_start3A_294] : memref<1200x64xf32, #tpu.memory_space<vmem>> -> memref<80x64xf32, #tpu.memory_space<vmem>>
      %dma_start3A_296 = arith.constant 0 : i32
      %dma_start3A_297 = tpu.memref_slice %arg5[%run_scoped3A_174, %dma_start3A_296] : memref<15x80xi32, #tpu.memory_space<vmem>> -> memref<1x80xi32, #tpu.memory_space<vmem>>
      %dma_start3A_298 = tpu.memref_squeeze %dma_start3A_297 : memref<1x80xi32, #tpu.memory_space<vmem>> -> memref<80xi32, #tpu.memory_space<vmem>>
      %dma_start3A_299 = arith.constant 0 : i32
      %dma_start3A_300 = arith.constant 0 : i32
      %dma_start3A_301 = tpu.memref_slice %arg8[%dma_start3A_299, %dma_start3A_300] : memref<10000x64xf32, #tpu.memory_space<vmem_shared>> -> memref<10000x64xf32, #tpu.memory_space<vmem_shared>>
      tpu.enqueue_indirect_dma source(%dma_start3A_295 : memref<80x64xf32, #tpu.memory_space<vmem>>) target(%dma_start3A_301 : memref<10000x64xf32, #tpu.memory_space<vmem_shared>>) offsets(%dma_start3A_298 : memref<80xi32, #tpu.memory_space<vmem>>) semaphore(%run_scoped3A_292 : memref<!tpu.dma_semaphore, #tpu.memory_space<semaphore_mem>>) {add = true}
      %dma_wait3A_302 = arith.constant 400 : i32
      %dma_wait3A_303 = arith.constant 0 : i32
      %dma_wait3A_304 = tpu.memref_slice %arg6[%dma_wait3A_302, %dma_wait3A_303] : memref<1200x64xf32, #tpu.memory_space<vmem>> -> memref<80x64xf32, #tpu.memory_space<vmem>>
      %dma_wait3A_305 = arith.constant 0 : i32
      %dma_wait3A_306 = tpu.memref_slice %arg5[%run_scoped3A_174, %dma_wait3A_305] : memref<15x80xi32, #tpu.memory_space<vmem>> -> memref<1x80xi32, #tpu.memory_space<vmem>>
      %dma_wait3A_307 = tpu.memref_squeeze %dma_wait3A_306 : memref<1x80xi32, #tpu.memory_space<vmem>> -> memref<80xi32, #tpu.memory_space<vmem>>
      %dma_wait3A_308 = arith.constant 0 : i32
      %dma_wait3A_309 = arith.constant 0 : i32
      %dma_wait3A_310 = tpu.memref_slice %arg8[%dma_wait3A_308, %dma_wait3A_309] : memref<10000x64xf32, #tpu.memory_space<vmem_shared>> -> memref<10000x64xf32, #tpu.memory_space<vmem_shared>>
      tpu.wait_indirect_dma semaphore(%run_scoped3A_292 : memref<!tpu.dma_semaphore, #tpu.memory_space<semaphore_mem>>) src(%dma_wait3A_304 : memref<80x64xf32, #tpu.memory_space<vmem>>) dst(%dma_wait3A_310 : memref<10000x64xf32, #tpu.memory_space<vmem_shared>>)
      tpu.yield
    }) : () -> ()
    %run_scoped3A_175 = arith.constant 6 : i32
    "tpu.region"() ({
      %run_scoped3A_292 = tpu.sem_alloc : memref<!tpu.dma_semaphore, #tpu.memory_space<semaphore_mem>>
      %dma_start3A_293 = arith.constant 480 : i32
      %dma_start3A_294 = arith.constant 0 : i32
      %dma_start3A_295 = tpu.memref_slice %arg6[%dma_start3A_293, %dma_start3A_294] : memref<1200x64xf32, #tpu.memory_space<vmem>> -> memref<80x64xf32, #tpu.memory_space<vmem>>
      %dma_start3A_296 = arith.constant 0 : i32
      %dma_start3A_297 = tpu.memref_slice %arg5[%run_scoped3A_175, %dma_start3A_296] : memref<15x80xi32, #tpu.memory_space<vmem>> -> memref<1x80xi32, #tpu.memory_space<vmem>>
      %dma_start3A_298 = tpu.memref_squeeze %dma_start3A_297 : memref<1x80xi32, #tpu.memory_space<vmem>> -> memref<80xi32, #tpu.memory_space<vmem>>
      %dma_start3A_299 = arith.constant 0 : i32
      %dma_start3A_300 = arith.constant 0 : i32
      %dma_start3A_301 = tpu.memref_slice %arg8[%dma_start3A_299, %dma_start3A_300] : memref<10000x64xf32, #tpu.memory_space<vmem_shared>> -> memref<10000x64xf32, #tpu.memory_space<vmem_shared>>
      tpu.enqueue_indirect_dma source(%dma_start3A_295 : memref<80x64xf32, #tpu.memory_space<vmem>>) target(%dma_start3A_301 : memref<10000x64xf32, #tpu.memory_space<vmem_shared>>) offsets(%dma_start3A_298 : memref<80xi32, #tpu.memory_space<vmem>>) semaphore(%run_scoped3A_292 : memref<!tpu.dma_semaphore, #tpu.memory_space<semaphore_mem>>) {add = true}
      %dma_wait3A_302 = arith.constant 480 : i32
      %dma_wait3A_303 = arith.constant 0 : i32
      %dma_wait3A_304 = tpu.memref_slice %arg6[%dma_wait3A_302, %dma_wait3A_303] : memref<1200x64xf32, #tpu.memory_space<vmem>> -> memref<80x64xf32, #tpu.memory_space<vmem>>
      %dma_wait3A_305 = arith.constant 0 : i32
      %dma_wait3A_306 = tpu.memref_slice %arg5[%run_scoped3A_175, %dma_wait3A_305] : memref<15x80xi32, #tpu.memory_space<vmem>> -> memref<1x80xi32, #tpu.memory_space<vmem>>
      %dma_wait3A_307 = tpu.memref_squeeze %dma_wait3A_306 : memref<1x80xi32, #tpu.memory_space<vmem>> -> memref<80xi32, #tpu.memory_space<vmem>>
      %dma_wait3A_308 = arith.constant 0 : i32
      %dma_wait3A_309 = arith.constant 0 : i32
      %dma_wait3A_310 = tpu.memref_slice %arg8[%dma_wait3A_308, %dma_wait3A_309] : memref<10000x64xf32, #tpu.memory_space<vmem_shared>> -> memref<10000x64xf32, #tpu.memory_space<vmem_shared>>
      tpu.wait_indirect_dma semaphore(%run_scoped3A_292 : memref<!tpu.dma_semaphore, #tpu.memory_space<semaphore_mem>>) src(%dma_wait3A_304 : memref<80x64xf32, #tpu.memory_space<vmem>>) dst(%dma_wait3A_310 : memref<10000x64xf32, #tpu.memory_space<vmem_shared>>)
      tpu.yield
    }) : () -> ()
    %run_scoped3A_176 = arith.constant 7 : i32
    "tpu.region"() ({
      %run_scoped3A_292 = tpu.sem_alloc : memref<!tpu.dma_semaphore, #tpu.memory_space<semaphore_mem>>
      %dma_start3A_293 = arith.constant 560 : i32
      %dma_start3A_294 = arith.constant 0 : i32
      %dma_start3A_295 = tpu.memref_slice %arg6[%dma_start3A_293, %dma_start3A_294] : memref<1200x64xf32, #tpu.memory_space<vmem>> -> memref<80x64xf32, #tpu.memory_space<vmem>>
      %dma_start3A_296 = arith.constant 0 : i32
      %dma_start3A_297 = tpu.memref_slice %arg5[%run_scoped3A_176, %dma_start3A_296] : memref<15x80xi32, #tpu.memory_space<vmem>> -> memref<1x80xi32, #tpu.memory_space<vmem>>
      %dma_start3A_298 = tpu.memref_squeeze %dma_start3A_297 : memref<1x80xi32, #tpu.memory_space<vmem>> -> memref<80xi32, #tpu.memory_space<vmem>>
      %dma_start3A_299 = arith.constant 0 : i32
      %dma_start3A_300 = arith.constant 0 : i32
      %dma_start3A_301 = tpu.memref_slice %arg8[%dma_start3A_299, %dma_start3A_300] : memref<10000x64xf32, #tpu.memory_space<vmem_shared>> -> memref<10000x64xf32, #tpu.memory_space<vmem_shared>>
      tpu.enqueue_indirect_dma source(%dma_start3A_295 : memref<80x64xf32, #tpu.memory_space<vmem>>) target(%dma_start3A_301 : memref<10000x64xf32, #tpu.memory_space<vmem_shared>>) offsets(%dma_start3A_298 : memref<80xi32, #tpu.memory_space<vmem>>) semaphore(%run_scoped3A_292 : memref<!tpu.dma_semaphore, #tpu.memory_space<semaphore_mem>>) {add = true}
      %dma_wait3A_302 = arith.constant 560 : i32
      %dma_wait3A_303 = arith.constant 0 : i32
      %dma_wait3A_304 = tpu.memref_slice %arg6[%dma_wait3A_302, %dma_wait3A_303] : memref<1200x64xf32, #tpu.memory_space<vmem>> -> memref<80x64xf32, #tpu.memory_space<vmem>>
      %dma_wait3A_305 = arith.constant 0 : i32
      %dma_wait3A_306 = tpu.memref_slice %arg5[%run_scoped3A_176, %dma_wait3A_305] : memref<15x80xi32, #tpu.memory_space<vmem>> -> memref<1x80xi32, #tpu.memory_space<vmem>>
      %dma_wait3A_307 = tpu.memref_squeeze %dma_wait3A_306 : memref<1x80xi32, #tpu.memory_space<vmem>> -> memref<80xi32, #tpu.memory_space<vmem>>
      %dma_wait3A_308 = arith.constant 0 : i32
      %dma_wait3A_309 = arith.constant 0 : i32
      %dma_wait3A_310 = tpu.memref_slice %arg8[%dma_wait3A_308, %dma_wait3A_309] : memref<10000x64xf32, #tpu.memory_space<vmem_shared>> -> memref<10000x64xf32, #tpu.memory_space<vmem_shared>>
      tpu.wait_indirect_dma semaphore(%run_scoped3A_292 : memref<!tpu.dma_semaphore, #tpu.memory_space<semaphore_mem>>) src(%dma_wait3A_304 : memref<80x64xf32, #tpu.memory_space<vmem>>) dst(%dma_wait3A_310 : memref<10000x64xf32, #tpu.memory_space<vmem_shared>>)
      tpu.yield
    }) : () -> ()
    %run_scoped3A_177 = arith.constant 8 : i32
    "tpu.region"() ({
      %run_scoped3A_292 = tpu.sem_alloc : memref<!tpu.dma_semaphore, #tpu.memory_space<semaphore_mem>>
      %dma_start3A_293 = arith.constant 640 : i32
      %dma_start3A_294 = arith.constant 0 : i32
      %dma_start3A_295 = tpu.memref_slice %arg6[%dma_start3A_293, %dma_start3A_294] : memref<1200x64xf32, #tpu.memory_space<vmem>> -> memref<80x64xf32, #tpu.memory_space<vmem>>
      %dma_start3A_296 = arith.constant 0 : i32
      %dma_start3A_297 = tpu.memref_slice %arg5[%run_scoped3A_177, %dma_start3A_296] : memref<15x80xi32, #tpu.memory_space<vmem>> -> memref<1x80xi32, #tpu.memory_space<vmem>>
      %dma_start3A_298 = tpu.memref_squeeze %dma_start3A_297 : memref<1x80xi32, #tpu.memory_space<vmem>> -> memref<80xi32, #tpu.memory_space<vmem>>
      %dma_start3A_299 = arith.constant 0 : i32
      %dma_start3A_300 = arith.constant 0 : i32
      %dma_start3A_301 = tpu.memref_slice %arg8[%dma_start3A_299, %dma_start3A_300] : memref<10000x64xf32, #tpu.memory_space<vmem_shared>> -> memref<10000x64xf32, #tpu.memory_space<vmem_shared>>
      tpu.enqueue_indirect_dma source(%dma_start3A_295 : memref<80x64xf32, #tpu.memory_space<vmem>>) target(%dma_start3A_301 : memref<10000x64xf32, #tpu.memory_space<vmem_shared>>) offsets(%dma_start3A_298 : memref<80xi32, #tpu.memory_space<vmem>>) semaphore(%run_scoped3A_292 : memref<!tpu.dma_semaphore, #tpu.memory_space<semaphore_mem>>) {add = true}
      %dma_wait3A_302 = arith.constant 640 : i32
      %dma_wait3A_303 = arith.constant 0 : i32
      %dma_wait3A_304 = tpu.memref_slice %arg6[%dma_wait3A_302, %dma_wait3A_303] : memref<1200x64xf32, #tpu.memory_space<vmem>> -> memref<80x64xf32, #tpu.memory_space<vmem>>
      %dma_wait3A_305 = arith.constant 0 : i32
      %dma_wait3A_306 = tpu.memref_slice %arg5[%run_scoped3A_177, %dma_wait3A_305] : memref<15x80xi32, #tpu.memory_space<vmem>> -> memref<1x80xi32, #tpu.memory_space<vmem>>
      %dma_wait3A_307 = tpu.memref_squeeze %dma_wait3A_306 : memref<1x80xi32, #tpu.memory_space<vmem>> -> memref<80xi32, #tpu.memory_space<vmem>>
      %dma_wait3A_308 = arith.constant 0 : i32
      %dma_wait3A_309 = arith.constant 0 : i32
      %dma_wait3A_310 = tpu.memref_slice %arg8[%dma_wait3A_308, %dma_wait3A_309] : memref<10000x64xf32, #tpu.memory_space<vmem_shared>> -> memref<10000x64xf32, #tpu.memory_space<vmem_shared>>
      tpu.wait_indirect_dma semaphore(%run_scoped3A_292 : memref<!tpu.dma_semaphore, #tpu.memory_space<semaphore_mem>>) src(%dma_wait3A_304 : memref<80x64xf32, #tpu.memory_space<vmem>>) dst(%dma_wait3A_310 : memref<10000x64xf32, #tpu.memory_space<vmem_shared>>)
      tpu.yield
    }) : () -> ()
    %run_scoped3A_178 = arith.constant 9 : i32
    "tpu.region"() ({
      %run_scoped3A_292 = tpu.sem_alloc : memref<!tpu.dma_semaphore, #tpu.memory_space<semaphore_mem>>
      %dma_start3A_293 = arith.constant 720 : i32
      %dma_start3A_294 = arith.constant 0 : i32
      %dma_start3A_295 = tpu.memref_slice %arg6[%dma_start3A_293, %dma_start3A_294] : memref<1200x64xf32, #tpu.memory_space<vmem>> -> memref<80x64xf32, #tpu.memory_space<vmem>>
      %dma_start3A_296 = arith.constant 0 : i32
      %dma_start3A_297 = tpu.memref_slice %arg5[%run_scoped3A_178, %dma_start3A_296] : memref<15x80xi32, #tpu.memory_space<vmem>> -> memref<1x80xi32, #tpu.memory_space<vmem>>
      %dma_start3A_298 = tpu.memref_squeeze %dma_start3A_297 : memref<1x80xi32, #tpu.memory_space<vmem>> -> memref<80xi32, #tpu.memory_space<vmem>>
      %dma_start3A_299 = arith.constant 0 : i32
      %dma_start3A_300 = arith.constant 0 : i32
      %dma_start3A_301 = tpu.memref_slice %arg8[%dma_start3A_299, %dma_start3A_300] : memref<10000x64xf32, #tpu.memory_space<vmem_shared>> -> memref<10000x64xf32, #tpu.memory_space<vmem_shared>>
      tpu.enqueue_indirect_dma source(%dma_start3A_295 : memref<80x64xf32, #tpu.memory_space<vmem>>) target(%dma_start3A_301 : memref<10000x64xf32, #tpu.memory_space<vmem_shared>>) offsets(%dma_start3A_298 : memref<80xi32, #tpu.memory_space<vmem>>) semaphore(%run_scoped3A_292 : memref<!tpu.dma_semaphore, #tpu.memory_space<semaphore_mem>>) {add = true}
      %dma_wait3A_302 = arith.constant 720 : i32
      %dma_wait3A_303 = arith.constant 0 : i32
      %dma_wait3A_304 = tpu.memref_slice %arg6[%dma_wait3A_302, %dma_wait3A_303] : memref<1200x64xf32, #tpu.memory_space<vmem>> -> memref<80x64xf32, #tpu.memory_space<vmem>>
      %dma_wait3A_305 = arith.constant 0 : i32
      %dma_wait3A_306 = tpu.memref_slice %arg5[%run_scoped3A_178, %dma_wait3A_305] : memref<15x80xi32, #tpu.memory_space<vmem>> -> memref<1x80xi32, #tpu.memory_space<vmem>>
      %dma_wait3A_307 = tpu.memref_squeeze %dma_wait3A_306 : memref<1x80xi32, #tpu.memory_space<vmem>> -> memref<80xi32, #tpu.memory_space<vmem>>
      %dma_wait3A_308 = arith.constant 0 : i32
      %dma_wait3A_309 = arith.constant 0 : i32
      %dma_wait3A_310 = tpu.memref_slice %arg8[%dma_wait3A_308, %dma_wait3A_309] : memref<10000x64xf32, #tpu.memory_space<vmem_shared>> -> memref<10000x64xf32, #tpu.memory_space<vmem_shared>>
      tpu.wait_indirect_dma semaphore(%run_scoped3A_292 : memref<!tpu.dma_semaphore, #tpu.memory_space<semaphore_mem>>) src(%dma_wait3A_304 : memref<80x64xf32, #tpu.memory_space<vmem>>) dst(%dma_wait3A_310 : memref<10000x64xf32, #tpu.memory_space<vmem_shared>>)
      tpu.yield
    }) : () -> ()
    %barrier3A_179 = arith.constant 0 : index
    tpu.barrier barrier_id(%barrier3A_179)
    %dma_start3A_180 = arith.constant 0 : i32
    %dma_start3A_181 = arith.constant 0 : i32
    %dma_start3A_182 = tpu.memref_slice %arg8[%mul3A_0, %dma_start3A_181] : memref<10000x64xf32, #tpu.memory_space<vmem_shared>> -> memref<125x64xf32, #tpu.memory_space<vmem_shared>>
    %dma_start3A_183 = tpu.memref_slice %arg11[%dma_start3A_180] : memref<2x!tpu.dma_semaphore, #tpu.memory_space<semaphore_mem>> -> memref<1x!tpu.dma_semaphore, #tpu.memory_space<semaphore_mem>>
    %dma_start3A_184 = tpu.memref_squeeze %dma_start3A_183 : memref<1x!tpu.dma_semaphore, #tpu.memory_space<semaphore_mem>> -> memref<!tpu.dma_semaphore, #tpu.memory_space<semaphore_mem>>
    %dma_start3A_185 = arith.constant 0 : i32
    %dma_start3A_186 = tpu.memref_slice %arg8[%mul3A_0, %dma_start3A_185] : memref<10000x64xf32, #tpu.memory_space<vmem_shared>> -> memref<125x64xf32, #tpu.memory_space<vmem_shared>>
    tpu.enqueue_dma source(%dma_start3A_186 : memref<125x64xf32, #tpu.memory_space<vmem_shared>>) target(%arg7 : memref<125x64xf32, #tpu.memory_space<vmem>>) target_semaphore(%dma_start3A_184 : memref<!tpu.dma_semaphore, #tpu.memory_space<semaphore_mem>>)
    %dma_wait3A_187 = arith.constant 0 : i32
    %dma_wait3A_188 = arith.constant 0 : i32
    %dma_wait3A_189 = tpu.memref_slice %arg8[%mul3A_0, %dma_wait3A_188] : memref<10000x64xf32, #tpu.memory_space<vmem_shared>> -> memref<125x64xf32, #tpu.memory_space<vmem_shared>>
    %dma_wait3A_190 = tpu.memref_slice %arg11[%dma_wait3A_187] : memref<2x!tpu.dma_semaphore, #tpu.memory_space<semaphore_mem>> -> memref<1x!tpu.dma_semaphore, #tpu.memory_space<semaphore_mem>>
    %dma_wait3A_191 = tpu.memref_squeeze %dma_wait3A_190 : memref<1x!tpu.dma_semaphore, #tpu.memory_space<semaphore_mem>> -> memref<!tpu.dma_semaphore, #tpu.memory_space<semaphore_mem>>
    %dma_wait3A_192 = arith.constant 0 : i32
    %dma_wait3A_193 = tpu.memref_slice %arg8[%mul3A_0, %dma_wait3A_192] : memref<10000x64xf32, #tpu.memory_space<vmem_shared>> -> memref<125x64xf32, #tpu.memory_space<vmem_shared>>
    tpu.wait_dma2 semaphore(%dma_wait3A_191 : memref<!tpu.dma_semaphore, #tpu.memory_space<semaphore_mem>>) src(%dma_wait3A_193 : memref<125x64xf32, #tpu.memory_space<vmem_shared>>) dst(%arg7 : memref<125x64xf32, #tpu.memory_space<vmem>>)
    %add3A_194 = arith.constant 125 : i32
    %add3A_195 = arith.addi %mul3A_0, %add3A_194 : i32
    %dma_start3A_196 = arith.constant 1 : i32
    %dma_start3A_197 = arith.constant 0 : i32
    %dma_start3A_198 = arith.constant 0 : i32
    %dma_start3A_199 = tpu.memref_slice %arg6[%dma_start3A_197, %dma_start3A_198] : memref<1200x64xf32, #tpu.memory_space<vmem>> -> memref<125x64xf32, #tpu.memory_space<vmem>>
    %dma_start3A_200 = arith.constant 0 : i32
    %dma_start3A_201 = tpu.memref_slice %arg8[%add3A_195, %dma_start3A_200] : memref<10000x64xf32, #tpu.memory_space<vmem_shared>> -> memref<125x64xf32, #tpu.memory_space<vmem_shared>>
    %dma_start3A_202 = tpu.memref_slice %arg11[%dma_start3A_196] : memref<2x!tpu.dma_semaphore, #tpu.memory_space<semaphore_mem>> -> memref<1x!tpu.dma_semaphore, #tpu.memory_space<semaphore_mem>>
    %dma_start3A_203 = tpu.memref_squeeze %dma_start3A_202 : memref<1x!tpu.dma_semaphore, #tpu.memory_space<semaphore_mem>> -> memref<!tpu.dma_semaphore, #tpu.memory_space<semaphore_mem>>
    %dma_start3A_204 = arith.constant 0 : i32
    %dma_start3A_205 = arith.constant 0 : i32
    %dma_start3A_206 = tpu.memref_slice %arg6[%dma_start3A_204, %dma_start3A_205] : memref<1200x64xf32, #tpu.memory_space<vmem>> -> memref<125x64xf32, #tpu.memory_space<vmem>>
    %dma_start3A_207 = arith.constant 0 : i32
    %dma_start3A_208 = tpu.memref_slice %arg8[%add3A_195, %dma_start3A_207] : memref<10000x64xf32, #tpu.memory_space<vmem_shared>> -> memref<125x64xf32, #tpu.memory_space<vmem_shared>>
    tpu.enqueue_dma source(%dma_start3A_208 : memref<125x64xf32, #tpu.memory_space<vmem_shared>>) target(%dma_start3A_206 : memref<125x64xf32, #tpu.memory_space<vmem>>) target_semaphore(%dma_start3A_203 : memref<!tpu.dma_semaphore, #tpu.memory_space<semaphore_mem>>)
    %add3A_209 = arith.constant 0 : i32
    %add3A_210 = arith.addi %mul3A_0, %add3A_209 : i32
    "tpu.region"() ({
      %run_scoped3A_292 = tpu.sem_alloc : memref<!tpu.dma_semaphore, #tpu.memory_space<semaphore_mem>>
      %dma_start3A_293 = tpu.memref_slice %arg4[%add3A_210, %mul3A_2] : memref<10000x128xf32, #tpu.memory_space<hbm>> -> memref<125x64xf32, #tpu.memory_space<hbm>>
      %dma_start3A_294 = tpu.memref_slice %arg4[%add3A_210, %mul3A_2] : memref<10000x128xf32, #tpu.memory_space<hbm>> -> memref<125x64xf32, #tpu.memory_space<hbm>>
      tpu.enqueue_dma source(%arg7 : memref<125x64xf32, #tpu.memory_space<vmem>>) target(%dma_start3A_294 : memref<125x64xf32, #tpu.memory_space<hbm>>) target_semaphore(%run_scoped3A_292 : memref<!tpu.dma_semaphore, #tpu.memory_space<semaphore_mem>>)
      %dma_wait3A_295 = tpu.memref_slice %arg4[%add3A_210, %mul3A_2] : memref<10000x128xf32, #tpu.memory_space<hbm>> -> memref<125x64xf32, #tpu.memory_space<hbm>>
      %dma_wait3A_296 = tpu.memref_slice %arg4[%add3A_210, %mul3A_2] : memref<10000x128xf32, #tpu.memory_space<hbm>> -> memref<125x64xf32, #tpu.memory_space<hbm>>
      tpu.wait_dma2 semaphore(%run_scoped3A_292 : memref<!tpu.dma_semaphore, #tpu.memory_space<semaphore_mem>>) src(%arg7 : memref<125x64xf32, #tpu.memory_space<vmem>>) dst(%dma_wait3A_296 : memref<125x64xf32, #tpu.memory_space<hbm>>)
      tpu.yield
    }) : () -> ()
    %dma_wait3A_211 = arith.constant 1 : i32
    %dma_wait3A_212 = arith.constant 0 : i32
    %dma_wait3A_213 = arith.constant 0 : i32
    %dma_wait3A_214 = tpu.memref_slice %arg6[%dma_wait3A_212, %dma_wait3A_213] : memref<1200x64xf32, #tpu.memory_space<vmem>> -> memref<125x64xf32, #tpu.memory_space<vmem>>
    %dma_wait3A_215 = arith.constant 0 : i32
    %dma_wait3A_216 = tpu.memref_slice %arg8[%mul3A_0, %dma_wait3A_215] : memref<10000x64xf32, #tpu.memory_space<vmem_shared>> -> memref<125x64xf32, #tpu.memory_space<vmem_shared>>
    %dma_wait3A_217 = tpu.memref_slice %arg11[%dma_wait3A_211] : memref<2x!tpu.dma_semaphore, #tpu.memory_space<semaphore_mem>> -> memref<1x!tpu.dma_semaphore, #tpu.memory_space<semaphore_mem>>
    %dma_wait3A_218 = tpu.memref_squeeze %dma_wait3A_217 : memref<1x!tpu.dma_semaphore, #tpu.memory_space<semaphore_mem>> -> memref<!tpu.dma_semaphore, #tpu.memory_space<semaphore_mem>>
    %dma_wait3A_219 = arith.constant 0 : i32
    %dma_wait3A_220 = arith.constant 0 : i32
    %dma_wait3A_221 = tpu.memref_slice %arg6[%dma_wait3A_219, %dma_wait3A_220] : memref<1200x64xf32, #tpu.memory_space<vmem>> -> memref<125x64xf32, #tpu.memory_space<vmem>>
    %dma_wait3A_222 = arith.constant 0 : i32
    %dma_wait3A_223 = tpu.memref_slice %arg8[%mul3A_0, %dma_wait3A_222] : memref<10000x64xf32, #tpu.memory_space<vmem_shared>> -> memref<125x64xf32, #tpu.memory_space<vmem_shared>>
    tpu.wait_dma2 semaphore(%dma_wait3A_218 : memref<!tpu.dma_semaphore, #tpu.memory_space<semaphore_mem>>) src(%dma_wait3A_223 : memref<125x64xf32, #tpu.memory_space<vmem_shared>>) dst(%dma_wait3A_221 : memref<125x64xf32, #tpu.memory_space<vmem>>)
    %add3A_224 = arith.constant 250 : i32
    %add3A_225 = arith.addi %mul3A_0, %add3A_224 : i32
    %dma_start3A_226 = arith.constant 0 : i32
    %dma_start3A_227 = arith.constant 0 : i32
    %dma_start3A_228 = tpu.memref_slice %arg8[%add3A_225, %dma_start3A_227] : memref<10000x64xf32, #tpu.memory_space<vmem_shared>> -> memref<125x64xf32, #tpu.memory_space<vmem_shared>>
    %dma_start3A_229 = tpu.memref_slice %arg11[%dma_start3A_226] : memref<2x!tpu.dma_semaphore, #tpu.memory_space<semaphore_mem>> -> memref<1x!tpu.dma_semaphore, #tpu.memory_space<semaphore_mem>>
    %dma_start3A_230 = tpu.memref_squeeze %dma_start3A_229 : memref<1x!tpu.dma_semaphore, #tpu.memory_space<semaphore_mem>> -> memref<!tpu.dma_semaphore, #tpu.memory_space<semaphore_mem>>
    %dma_start3A_231 = arith.constant 0 : i32
    %dma_start3A_232 = tpu.memref_slice %arg8[%add3A_225, %dma_start3A_231] : memref<10000x64xf32, #tpu.memory_space<vmem_shared>> -> memref<125x64xf32, #tpu.memory_space<vmem_shared>>
    tpu.enqueue_dma source(%dma_start3A_232 : memref<125x64xf32, #tpu.memory_space<vmem_shared>>) target(%arg7 : memref<125x64xf32, #tpu.memory_space<vmem>>) target_semaphore(%dma_start3A_230 : memref<!tpu.dma_semaphore, #tpu.memory_space<semaphore_mem>>)
    %add3A_233 = arith.constant 125 : i32
    %add3A_234 = arith.addi %mul3A_0, %add3A_233 : i32
    "tpu.region"() ({
      %run_scoped3A_292 = tpu.sem_alloc : memref<!tpu.dma_semaphore, #tpu.memory_space<semaphore_mem>>
      %dma_start3A_293 = arith.constant 0 : i32
      %dma_start3A_294 = arith.constant 0 : i32
      %dma_start3A_295 = tpu.memref_slice %arg6[%dma_start3A_293, %dma_start3A_294] : memref<1200x64xf32, #tpu.memory_space<vmem>> -> memref<125x64xf32, #tpu.memory_space<vmem>>
      %dma_start3A_296 = tpu.memref_slice %arg4[%add3A_234, %mul3A_2] : memref<10000x128xf32, #tpu.memory_space<hbm>> -> memref<125x64xf32, #tpu.memory_space<hbm>>
      %dma_start3A_297 = tpu.memref_slice %arg4[%add3A_234, %mul3A_2] : memref<10000x128xf32, #tpu.memory_space<hbm>> -> memref<125x64xf32, #tpu.memory_space<hbm>>
      %dma_start3A_298 = arith.constant 0 : i32
      %dma_start3A_299 = arith.constant 0 : i32
      %dma_start3A_300 = tpu.memref_slice %arg6[%dma_start3A_298, %dma_start3A_299] : memref<1200x64xf32, #tpu.memory_space<vmem>> -> memref<125x64xf32, #tpu.memory_space<vmem>>
      tpu.enqueue_dma source(%dma_start3A_300 : memref<125x64xf32, #tpu.memory_space<vmem>>) target(%dma_start3A_297 : memref<125x64xf32, #tpu.memory_space<hbm>>) target_semaphore(%run_scoped3A_292 : memref<!tpu.dma_semaphore, #tpu.memory_space<semaphore_mem>>)
      %dma_wait3A_301 = arith.constant 0 : i32
      %dma_wait3A_302 = arith.constant 0 : i32
      %dma_wait3A_303 = tpu.memref_slice %arg6[%dma_wait3A_301, %dma_wait3A_302] : memref<1200x64xf32, #tpu.memory_space<vmem>> -> memref<125x64xf32, #tpu.memory_space<vmem>>
      %dma_wait3A_304 = tpu.memref_slice %arg4[%add3A_234, %mul3A_2] : memref<10000x128xf32, #tpu.memory_space<hbm>> -> memref<125x64xf32, #tpu.memory_space<hbm>>
      %dma_wait3A_305 = tpu.memref_slice %arg4[%add3A_234, %mul3A_2] : memref<10000x128xf32, #tpu.memory_space<hbm>> -> memref<125x64xf32, #tpu.memory_space<hbm>>
      %dma_wait3A_306 = arith.constant 0 : i32
      %dma_wait3A_307 = arith.constant 0 : i32
      %dma_wait3A_308 = tpu.memref_slice %arg6[%dma_wait3A_306, %dma_wait3A_307] : memref<1200x64xf32, #tpu.memory_space<vmem>> -> memref<125x64xf32, #tpu.memory_space<vmem>>
      tpu.wait_dma2 semaphore(%run_scoped3A_292 : memref<!tpu.dma_semaphore, #tpu.memory_space<semaphore_mem>>) src(%dma_wait3A_308 : memref<125x64xf32, #tpu.memory_space<vmem>>) dst(%dma_wait3A_305 : memref<125x64xf32, #tpu.memory_space<hbm>>)
      tpu.yield
    }) : () -> ()
    %dma_wait3A_235 = arith.constant 0 : i32
    %dma_wait3A_236 = arith.constant 0 : i32
    %dma_wait3A_237 = tpu.memref_slice %arg8[%mul3A_0, %dma_wait3A_236] : memref<10000x64xf32, #tpu.memory_space<vmem_shared>> -> memref<125x64xf32, #tpu.memory_space<vmem_shared>>
    %dma_wait3A_238 = tpu.memref_slice %arg11[%dma_wait3A_235] : memref<2x!tpu.dma_semaphore, #tpu.memory_space<semaphore_mem>> -> memref<1x!tpu.dma_semaphore, #tpu.memory_space<semaphore_mem>>
    %dma_wait3A_239 = tpu.memref_squeeze %dma_wait3A_238 : memref<1x!tpu.dma_semaphore, #tpu.memory_space<semaphore_mem>> -> memref<!tpu.dma_semaphore, #tpu.memory_space<semaphore_mem>>
    %dma_wait3A_240 = arith.constant 0 : i32
    %dma_wait3A_241 = tpu.memref_slice %arg8[%mul3A_0, %dma_wait3A_240] : memref<10000x64xf32, #tpu.memory_space<vmem_shared>> -> memref<125x64xf32, #tpu.memory_space<vmem_shared>>
    tpu.wait_dma2 semaphore(%dma_wait3A_239 : memref<!tpu.dma_semaphore, #tpu.memory_space<semaphore_mem>>) src(%dma_wait3A_241 : memref<125x64xf32, #tpu.memory_space<vmem_shared>>) dst(%arg7 : memref<125x64xf32, #tpu.memory_space<vmem>>)
    %add3A_242 = arith.constant 375 : i32
    %add3A_243 = arith.addi %mul3A_0, %add3A_242 : i32
    %dma_start3A_244 = arith.constant 1 : i32
    %dma_start3A_245 = arith.constant 0 : i32
    %dma_start3A_246 = arith.constant 0 : i32
    %dma_start3A_247 = tpu.memref_slice %arg6[%dma_start3A_245, %dma_start3A_246] : memref<1200x64xf32, #tpu.memory_space<vmem>> -> memref<125x64xf32, #tpu.memory_space<vmem>>
    %dma_start3A_248 = arith.constant 0 : i32
    %dma_start3A_249 = tpu.memref_slice %arg8[%add3A_243, %dma_start3A_248] : memref<10000x64xf32, #tpu.memory_space<vmem_shared>> -> memref<125x64xf32, #tpu.memory_space<vmem_shared>>
    %dma_start3A_250 = tpu.memref_slice %arg11[%dma_start3A_244] : memref<2x!tpu.dma_semaphore, #tpu.memory_space<semaphore_mem>> -> memref<1x!tpu.dma_semaphore, #tpu.memory_space<semaphore_mem>>
    %dma_start3A_251 = tpu.memref_squeeze %dma_start3A_250 : memref<1x!tpu.dma_semaphore, #tpu.memory_space<semaphore_mem>> -> memref<!tpu.dma_semaphore, #tpu.memory_space<semaphore_mem>>
    %dma_start3A_252 = arith.constant 0 : i32
    %dma_start3A_253 = arith.constant 0 : i32
    %dma_start3A_254 = tpu.memref_slice %arg6[%dma_start3A_252, %dma_start3A_253] : memref<1200x64xf32, #tpu.memory_space<vmem>> -> memref<125x64xf32, #tpu.memory_space<vmem>>
    %dma_start3A_255 = arith.constant 0 : i32
    %dma_start3A_256 = tpu.memref_slice %arg8[%add3A_243, %dma_start3A_255] : memref<10000x64xf32, #tpu.memory_space<vmem_shared>> -> memref<125x64xf32, #tpu.memory_space<vmem_shared>>
    tpu.enqueue_dma source(%dma_start3A_256 : memref<125x64xf32, #tpu.memory_space<vmem_shared>>) target(%dma_start3A_254 : memref<125x64xf32, #tpu.memory_space<vmem>>) target_semaphore(%dma_start3A_251 : memref<!tpu.dma_semaphore, #tpu.memory_space<semaphore_mem>>)
    %add3A_257 = arith.constant 250 : i32
    %add3A_258 = arith.addi %mul3A_0, %add3A_257 : i32
    "tpu.region"() ({
      %run_scoped3A_292 = tpu.sem_alloc : memref<!tpu.dma_semaphore, #tpu.memory_space<semaphore_mem>>
      %dma_start3A_293 = tpu.memref_slice %arg4[%add3A_258, %mul3A_2] : memref<10000x128xf32, #tpu.memory_space<hbm>> -> memref<125x64xf32, #tpu.memory_space<hbm>>
      %dma_start3A_294 = tpu.memref_slice %arg4[%add3A_258, %mul3A_2] : memref<10000x128xf32, #tpu.memory_space<hbm>> -> memref<125x64xf32, #tpu.memory_space<hbm>>
      tpu.enqueue_dma source(%arg7 : memref<125x64xf32, #tpu.memory_space<vmem>>) target(%dma_start3A_294 : memref<125x64xf32, #tpu.memory_space<hbm>>) target_semaphore(%run_scoped3A_292 : memref<!tpu.dma_semaphore, #tpu.memory_space<semaphore_mem>>)
      %dma_wait3A_295 = tpu.memref_slice %arg4[%add3A_258, %mul3A_2] : memref<10000x128xf32, #tpu.memory_space<hbm>> -> memref<125x64xf32, #tpu.memory_space<hbm>>
      %dma_wait3A_296 = tpu.memref_slice %arg4[%add3A_258, %mul3A_2] : memref<10000x128xf32, #tpu.memory_space<hbm>> -> memref<125x64xf32, #tpu.memory_space<hbm>>
      tpu.wait_dma2 semaphore(%run_scoped3A_292 : memref<!tpu.dma_semaphore, #tpu.memory_space<semaphore_mem>>) src(%arg7 : memref<125x64xf32, #tpu.memory_space<vmem>>) dst(%dma_wait3A_296 : memref<125x64xf32, #tpu.memory_space<hbm>>)
      tpu.yield
    }) : () -> ()
    %dma_wait3A_259 = arith.constant 1 : i32
    %dma_wait3A_260 = arith.constant 0 : i32
    %dma_wait3A_261 = arith.constant 0 : i32
    %dma_wait3A_262 = tpu.memref_slice %arg6[%dma_wait3A_260, %dma_wait3A_261] : memref<1200x64xf32, #tpu.memory_space<vmem>> -> memref<125x64xf32, #tpu.memory_space<vmem>>
    %dma_wait3A_263 = arith.constant 0 : i32
    %dma_wait3A_264 = tpu.memref_slice %arg8[%mul3A_0, %dma_wait3A_263] : memref<10000x64xf32, #tpu.memory_space<vmem_shared>> -> memref<125x64xf32, #tpu.memory_space<vmem_shared>>
    %dma_wait3A_265 = tpu.memref_slice %arg11[%dma_wait3A_259] : memref<2x!tpu.dma_semaphore, #tpu.memory_space<semaphore_mem>> -> memref<1x!tpu.dma_semaphore, #tpu.memory_space<semaphore_mem>>
    %dma_wait3A_266 = tpu.memref_squeeze %dma_wait3A_265 : memref<1x!tpu.dma_semaphore, #tpu.memory_space<semaphore_mem>> -> memref<!tpu.dma_semaphore, #tpu.memory_space<semaphore_mem>>
    %dma_wait3A_267 = arith.constant 0 : i32
    %dma_wait3A_268 = arith.constant 0 : i32
    %dma_wait3A_269 = tpu.memref_slice %arg6[%dma_wait3A_267, %dma_wait3A_268] : memref<1200x64xf32, #tpu.memory_space<vmem>> -> memref<125x64xf32, #tpu.memory_space<vmem>>
    %dma_wait3A_270 = arith.constant 0 : i32
    %dma_wait3A_271 = tpu.memref_slice %arg8[%mul3A_0, %dma_wait3A_270] : memref<10000x64xf32, #tpu.memory_space<vmem_shared>> -> memref<125x64xf32, #tpu.memory_space<vmem_shared>>
    tpu.wait_dma2 semaphore(%dma_wait3A_266 : memref<!tpu.dma_semaphore, #tpu.memory_space<semaphore_mem>>) src(%dma_wait3A_271 : memref<125x64xf32, #tpu.memory_space<vmem_shared>>) dst(%dma_wait3A_269 : memref<125x64xf32, #tpu.memory_space<vmem>>)
    %add3A_272 = arith.constant 500 : i32
    %add3A_273 = arith.addi %mul3A_0, %add3A_272 : i32
    %dma_start3A_274 = arith.constant 0 : i32
    %dma_start3A_275 = arith.constant 0 : i32
    %dma_start3A_276 = tpu.memref_slice %arg8[%add3A_273, %dma_start3A_275] : memref<10000x64xf32, #tpu.memory_space<vmem_shared>> -> memref<125x64xf32, #tpu.memory_space<vmem_shared>>
    %dma_start3A_277 = tpu.memref_slice %arg11[%dma_start3A_274] : memref<2x!tpu.dma_semaphore, #tpu.memory_space<semaphore_mem>> -> memref<1x!tpu.dma_semaphore, #tpu.memory_space<semaphore_mem>>
    %dma_start3A_278 = tpu.memref_squeeze %dma_start3A_277 : memref<1x!tpu.dma_semaphore, #tpu.memory_space<semaphore_mem>> -> memref<!tpu.dma_semaphore, #tpu.memory_space<semaphore_mem>>
    %dma_start3A_279 = arith.constant 0 : i32
    %dma_start3A_280 = tpu.memref_slice %arg8[%add3A_273, %dma_start3A_279] : memref<10000x64xf32, #tpu.memory_space<vmem_shared>> -> memref<125x64xf32, #tpu.memory_space<vmem_shared>>
    tpu.enqueue_dma source(%dma_start3A_280 : memref<125x64xf32, #tpu.memory_space<vmem_shared>>) target(%arg7 : memref<125x64xf32, #tpu.memory_space<vmem>>) target_semaphore(%dma_start3A_278 : memref<!tpu.dma_semaphore, #tpu.memory_space<semaphore_mem>>)
    %add3A_281 = arith.constant 375 : i32
    %add3A_282 = arith.addi %mul3A_0, %add3A_281 : i32
    "tpu.region"() ({
      %run_scoped3A_292 = tpu.sem_alloc : memref<!tpu.dma_semaphore, #tpu.memory_space<semaphore_mem>>
      %dma_start3A_293 = arith.constant 0 : i32
      %dma_start3A_294 = arith.constant 0 : i32
      %dma_start3A_295 = tpu.memref_slice %arg6[%dma_start3A_293, %dma_start3A_294] : memref<1200x64xf32, #tpu.memory_space<vmem>> -> memref<125x64xf32, #tpu.memory_space<vmem>>
      %dma_start3A_296 = tpu.memref_slice %arg4[%add3A_282, %mul3A_2] : memref<10000x128xf32, #tpu.memory_space<hbm>> -> memref<125x64xf32, #tpu.memory_space<hbm>>
      %dma_start3A_297 = tpu.memref_slice %arg4[%add3A_282, %mul3A_2] : memref<10000x128xf32, #tpu.memory_space<hbm>> -> memref<125x64xf32, #tpu.memory_space<hbm>>
      %dma_start3A_298 = arith.constant 0 : i32
      %dma_start3A_299 = arith.constant 0 : i32
      %dma_start3A_300 = tpu.memref_slice %arg6[%dma_start3A_298, %dma_start3A_299] : memref<1200x64xf32, #tpu.memory_space<vmem>> -> memref<125x64xf32, #tpu.memory_space<vmem>>
      tpu.enqueue_dma source(%dma_start3A_300 : memref<125x64xf32, #tpu.memory_space<vmem>>) target(%dma_start3A_297 : memref<125x64xf32, #tpu.memory_space<hbm>>) target_semaphore(%run_scoped3A_292 : memref<!tpu.dma_semaphore, #tpu.memory_space<semaphore_mem>>)
      %dma_wait3A_301 = arith.constant 0 : i32
      %dma_wait3A_302 = arith.constant 0 : i32
      %dma_wait3A_303 = tpu.memref_slice %arg6[%dma_wait3A_301, %dma_wait3A_302] : memref<1200x64xf32, #tpu.memory_space<vmem>> -> memref<125x64xf32, #tpu.memory_space<vmem>>
      %dma_wait3A_304 = tpu.memref_slice %arg4[%add3A_282, %mul3A_2] : memref<10000x128xf32, #tpu.memory_space<hbm>> -> memref<125x64xf32, #tpu.memory_space<hbm>>
      %dma_wait3A_305 = tpu.memref_slice %arg4[%add3A_282, %mul3A_2] : memref<10000x128xf32, #tpu.memory_space<hbm>> -> memref<125x64xf32, #tpu.memory_space<hbm>>
      %dma_wait3A_306 = arith.constant 0 : i32
      %dma_wait3A_307 = arith.constant 0 : i32
      %dma_wait3A_308 = tpu.memref_slice %arg6[%dma_wait3A_306, %dma_wait3A_307] : memref<1200x64xf32, #tpu.memory_space<vmem>> -> memref<125x64xf32, #tpu.memory_space<vmem>>
      tpu.wait_dma2 semaphore(%run_scoped3A_292 : memref<!tpu.dma_semaphore, #tpu.memory_space<semaphore_mem>>) src(%dma_wait3A_308 : memref<125x64xf32, #tpu.memory_space<vmem>>) dst(%dma_wait3A_305 : memref<125x64xf32, #tpu.memory_space<hbm>>)
      tpu.yield
    }) : () -> ()
    %dma_wait3A_283 = arith.constant 0 : i32
    %dma_wait3A_284 = arith.constant 0 : i32
    %dma_wait3A_285 = tpu.memref_slice %arg8[%mul3A_0, %dma_wait3A_284] : memref<10000x64xf32, #tpu.memory_space<vmem_shared>> -> memref<125x64xf32, #tpu.memory_space<vmem_shared>>
    %dma_wait3A_286 = tpu.memref_slice %arg11[%dma_wait3A_283] : memref<2x!tpu.dma_semaphore, #tpu.memory_space<semaphore_mem>> -> memref<1x!tpu.dma_semaphore, #tpu.memory_space<semaphore_mem>>
    %dma_wait3A_287 = tpu.memref_squeeze %dma_wait3A_286 : memref<1x!tpu.dma_semaphore, #tpu.memory_space<semaphore_mem>> -> memref<!tpu.dma_semaphore, #tpu.memory_space<semaphore_mem>>
    %dma_wait3A_288 = arith.constant 0 : i32
    %dma_wait3A_289 = tpu.memref_slice %arg8[%mul3A_0, %dma_wait3A_288] : memref<10000x64xf32, #tpu.memory_space<vmem_shared>> -> memref<125x64xf32, #tpu.memory_space<vmem_shared>>
    tpu.wait_dma2 semaphore(%dma_wait3A_287 : memref<!tpu.dma_semaphore, #tpu.memory_space<semaphore_mem>>) src(%dma_wait3A_289 : memref<125x64xf32, #tpu.memory_space<vmem_shared>>) dst(%arg7 : memref<125x64xf32, #tpu.memory_space<vmem>>)
    %add3A_290 = arith.constant 500 : i32
    %add3A_291 = arith.addi %mul3A_0, %add3A_290 : i32
    "tpu.region"() ({
      %run_scoped3A_292 = tpu.sem_alloc : memref<!tpu.dma_semaphore, #tpu.memory_space<semaphore_mem>>
      %dma_start3A_293 = tpu.memref_slice %arg4[%add3A_291, %mul3A_2] : memref<10000x128xf32, #tpu.memory_space<hbm>> -> memref<125x64xf32, #tpu.memory_space<hbm>>
      %dma_start3A_294 = tpu.memref_slice %arg4[%add3A_291, %mul3A_2] : memref<10000x128xf32, #tpu.memory_space<hbm>> -> memref<125x64xf32, #tpu.memory_space<hbm>>
      tpu.enqueue_dma source(%arg7 : memref<125x64xf32, #tpu.memory_space<vmem>>) target(%dma_start3A_294 : memref<125x64xf32, #tpu.memory_space<hbm>>) target_semaphore(%run_scoped3A_292 : memref<!tpu.dma_semaphore, #tpu.memory_space<semaphore_mem>>)
      %dma_wait3A_295 = tpu.memref_slice %arg4[%add3A_291, %mul3A_2] : memref<10000x128xf32, #tpu.memory_space<hbm>> -> memref<125x64xf32, #tpu.memory_space<hbm>>
      %dma_wait3A_296 = tpu.memref_slice %arg4[%add3A_291, %mul3A_2] : memref<10000x128xf32, #tpu.memory_space<hbm>> -> memref<125x64xf32, #tpu.memory_space<hbm>>
      tpu.wait_dma2 semaphore(%run_scoped3A_292 : memref<!tpu.dma_semaphore, #tpu.memory_space<semaphore_mem>>) src(%arg7 : memref<125x64xf32, #tpu.memory_space<vmem>>) dst(%dma_wait3A_296 : memref<125x64xf32, #tpu.memory_space<hbm>>)
      tpu.yield
    }) : () -> ()
    return
  }
}

</mosaic_0001>

<sc_bundles>
// kernel: kernel.3.cloned.1.call-start
scs
__scs_entry_jumppad:
0x0: {  	(pc) =	sbr.rel $0x88, $3  }
0x1: {  	(tag) =	ssettag $0x0;
	lr =	simm.s32 $0x1  }
0x2: {  	[smem:$0x3F9F] =	sst lr;
	_ =	strace $0xD0000000  }
0x3: {  	_ = 	snop  }
0x4: {  	_ = 	snop  }
0x5: {  	_ = 	snop  }
0x6: {  	_ = 	snop  }
0x7: {  	_ = 	snop  }
__scs_overlays_trampoline_lowered:
0x8: {  	[smem:$0x3FAE] =	sst s0  }
0x9: {  	[smem:$0x3FAF] =	sst s1  }
0xa: {  	[smem:$0x3FB0] =	sst s2  }
0xb: {  	[smem:$0x3FB1] =	sst s3  }
0xc: {  	[smem:$0x3FB2] =	sst s4  }
0xd: {  	[smem:$0x3FB3] =	sst s5  }
0xe: {  	[smem:$0x3FB4] =	sst s6  }
0xf: {  	[smem:$0x3FB5] =	sst s7  }
0x10: {  	[smem:$0x3FB6] =	sst s8  }
0x11: {  	[smem:$0x3FB7] =	sst s9;
	s0 =	simm.s32 @!p0 $0x0  }
0x12: {  	s1 =	sld [smem:$0x3F9D];
	s0 =	simm.s32 @p0 $0x1  }
0x13: {  	[smem:$0x3FB8] =	sst s0;
	s0 =	simm.s32 @!p1 $0x0  }
0x14: {  	s2 =	sld [smem:$0x3F9C];
	s0 =	simm.s32 @p1 $0x1  }
0x15: {  	[smem:$0x3FB9] =	sst s0;
	s0 =	simm.s32 @!p2 $0x0  }
0x16: {  	s3 =	sld [smem:$0x3FDB];
	s0 =	simm.s32 @p2 $0x1  }
0x17: {  	s4 =	simm.s32 $0x1BF5;
	[smem:$0x3FBB] =	sst s0  }
0x18: {  	s0 =	sld [smem:$0x3F9E];
	_ =	swait.ge [sflag:s4], $0x0  }
0x19: {  	s7 =	sld [smem:$0x3F9F]  }
0x1a: {  	s8 =	sadd.s32 $0xFFFFE003, lr  }
0x1b: {  	s9 =	sadd.s32 $0xFFFFFEF7, lr;
	s5 =	simm.s32 $0xFFFFFFFF;
	p2 =	slt.u32 s8, $0xFFFFF086  }
0x1c: {  	p1 =	slt.u32 s9, $0xF7A;
	s5 =	simm.s32 @!p2 $0x0  }
0x1d: {  	s5 =	simm.s32 @p1 $0x1;
	p0 =	seq.s32 s7, s2  }
0x1e: {  	s7 =	smul.u32 @!p0 $0xF7A, s2;
	p2 =	seq.s32 @!p0 s5, $0x0  }
0x1f: {  	s9 =	smul.u32 $0xF7A, s1;
	s8 =	simm.s32 @!p0 $0x1BF5;
	p2 =	por !p2, p0  }
0x20: {  	[sflag:s8] =	ssyncset.s32 @!p0 $0xFFFFF086;
	s6 =	sadd.s32 @!p0 s3, s7;
	s7 =	simm.s32 @!p0 $0x108  }
0x21: {  	s3 =	sadd.s32 s3, s9;
	s6 =	sadd.s32 @!p0 $0x88, s6;
	s7 =	simm.s32 @p2 $0x1082  }
0x22: {  	[simem:s7], [sflag:s8] =	dma.local @!p0 [hbm:s6], $0xF7A  }
0x23: {  	s9 =	sor.u32 $0xD0000000, s2;
	s6 =	simm.s32 $0x108;
	_ =	swait.ge @!p0 [sflag:s8], $0x0  }
0x24: {  	s3 =	sadd.s32 $0x88, s3;
	s6 =	simm.s32 @!p1 $0x1082;
	[sflag:s4] =	ssyncset.s32 $0xFFFFF086  }
0x25: {  	[simem:s6], [sflag:s4] =	dma.local [hbm:s3], $0xF7A  }
0x26: {  	[smem:$0x3F9F] =	sst s1;
	(tag) =	ssettag s2;
	_ =	strace s9  }
0x27: {  	s1 =	sld [smem:$0x3FAF]  }
0x28: {  	s2 =	sld [smem:$0x3FB0]  }
0x29: {  	s4 =	sld [smem:$0x3FB2]  }
0x2a: {  	p0 =	seq.s32 s5, $0x0;
	s5 =	sld [smem:$0x3FB3]  }
0x2b: {  	s6 =	sld [smem:$0x3FB4]  }
0x2c: {  	s7 =	sld [smem:$0x3FB5]  }
0x2d: {  	s3 =	simm.s32 $0x108;
	s8 =	sld [smem:$0x3FB6]  }
0x2e: {  	s3 =	simm.s32 @!p0 $0x1082;
	s9 =	sld [smem:$0x3FB7]  }
0x2f: {  	lr =	sadd.s32 s0, s3;
	s0 =	sld [smem:$0x3FAE]  }
0x30: {  	s3 =	sld [smem:$0x3FB1]  }
0x31: {  	[smem:$0x3FBA] =	sst s10  }
0x32: {  	s10 =	sld [smem:$0x3FB8];
	_ =	sdelay $0x3  }
0x33: {  	p0 =	seq.s32 s10, $0x1;
	s10 =	sld [smem:$0x3FBA];
	_ =	sdelay $0x3  }
0x34: {  	[smem:$0x3FBA] =	sst s10  }
0x35: {  	s10 =	sld [smem:$0x3FB9];
	_ =	sdelay $0x3  }
0x36: {  	p1 =	seq.s32 s10, $0x1;
	s10 =	sld [smem:$0x3FBA];
	_ =	sdelay $0x3  }
0x37: {  	[smem:$0x3FBA] =	sst s10  }
0x38: {  	s10 =	sld [smem:$0x3FBB]  }
0x39: {  	_ = 	snop;
	(pc) =	sbr.ind lr, $3  }
0x3a: {  	_ = 	snop  }
0x3b: {  	_ = 	snop  }
0x3c: {  	p2 =	seq.s32 s10, $0x1;
	s10 =	sld [smem:$0x3FBA]  }
0x3d: {  	_ =	shalt  }
0x3e: {  	_ =	shalt  }
0x3f: {  	_ =	shalt  }
0x40: {  	_ =	shalt  }
0x41: {  	_ =	shalt  }
0x42: {  	_ =	shalt  }
0x43: {  	_ =	shalt  }
0x44: {  	_ =	shalt  }
0x45: {  	_ =	shalt  }
0x46: {  	_ =	shalt  }
0x47: {  	_ =	shalt  }
0x48: {  	_ =	shalt  }
0x49: {  	_ =	shalt  }
0x4a: {  	_ =	shalt  }
0x4b: {  	_ =	shalt  }
0x4c: {  	_ =	shalt  }
0x4d: {  	_ =	shalt  }
0x4e: {  	_ =	shalt  }
0x4f: {  	_ =	shalt  }
0x50: {  	_ =	shalt  }
0x51: {  	_ =	shalt  }
0x52: {  	_ =	shalt  }
0x53: {  	_ =	shalt  }
0x54: {  	_ =	shalt  }
0x55: {  	_ =	shalt  }
0x56: {  	_ =	shalt  }
0x57: {  	_ =	shalt  }
0x58: {  	_ =	shalt  }
0x59: {  	_ =	shalt  }
0x5a: {  	_ =	shalt  }
0x5b: {  	_ =	shalt  }
0x5c: {  	_ =	shalt  }
0x5d: {  	_ =	shalt  }
0x5e: {  	_ =	shalt  }
0x5f: {  	_ =	shalt  }
0x60: {  	_ =	shalt  }
0x61: {  	_ =	shalt  }
0x62: {  	_ =	shalt  }
0x63: {  	_ =	shalt  }
0x64: {  	_ =	shalt  }
0x65: {  	_ =	shalt  }
0x66: {  	_ =	shalt  }
0x67: {  	_ =	shalt  }
0x68: {  	_ =	shalt  }
0x69: {  	_ =	shalt  }
0x6a: {  	_ =	shalt  }
0x6b: {  	_ =	shalt  }
0x6c: {  	_ =	shalt  }
0x6d: {  	_ =	shalt  }
0x6e: {  	_ =	shalt  }
0x6f: {  	_ =	shalt  }
0x70: {  	_ =	shalt  }
0x71: {  	_ =	shalt  }
0x72: {  	_ =	shalt  }
0x73: {  	_ =	shalt  }
0x74: {  	_ =	shalt  }
0x75: {  	_ =	shalt  }
0x76: {  	_ =	shalt  }
0x77: {  	_ =	shalt  }
0x78: {  	_ =	shalt  }
0x79: {  	_ =	shalt  }
0x7a: {  	_ =	shalt  }
0x7b: {  	_ =	shalt  }
0x7c: {  	_ =	shalt  }
0x7d: {  	_ =	shalt  }
0x7e: {  	_ =	shalt  }
0x7f: {  	_ =	shalt  }
0x80: {  	_ =	shalt  }
0x81: {  	_ =	shalt  }
0x82: {  	_ =	shalt  }
0x83: {  	_ =	shalt  }
0x84: {  	_ =	shalt  }
0x85: {  	_ =	shalt  }
0x86: {  	_ =	shalt  }
0x87: {  	_ =	shalt  }
.Lfunc_end0:
.L_simem_size_0:
called_computation_lowered:
.L_overlay_start_0:
0x88: {  	s2 =	sld [smem:$0x3FD9]  }
0x89: {  	s3 =	sld [smem:$0x3FFE];
	_ =	sdelay $0x1  }
0x8a: {  	s1 =	srdreg.scid  }
0x8b: {  	s0 =	sand.u32 $0x1, s1  }
0x8c: {  	s18 =	sshll.u32 s0, $0xA;
	s2 =	sadd.s32 s3, s2  }
0x8d: {  	s2 =	sadd.s32 s2, s18  }
0x8e: {  	[smem:$0x3FC6] =	sst s2  }
0x8f: {  	_ = 	snop  }
0x90: {  	s2 =	sld [smem:$0x3FC9]  }
0x91: {  	s19 =	sld [smem:$0x3FC8]  }
0x92: {  	s4 =	sld [smem:$0x3FD0];
	(tm) =	ssettm $0x1  }
0x93: {  	s5 =	sld [smem:$0x3FFB];
	_ =	sdelay $0x3  }
0x94: {  	_ =	strace s5  }
0x95: {  	s5 =	sld [smem:$0x3FFC];
	_ =	sdelay $0x3  }
0x96: {  	_ =	strace s5  }
0x97: {  	s5 =	sld [smem:$0x3FFD];
	_ =	sdelay $0x3  }
0x98: {  	_ =	strace s5  }
0x99: {  	_ =	strace $0x8FFFFFFF  }
0x9a: {  	s20 =	sld [smem:$0x3FDB];
	_ =	sdelay $0x1  }
0x9b: {  	s6 =	simm.s32 $_scs_section_size  }
0x9c: {  	s7 =	simm.s32 $_size__tile_overlayer_lowered;
	s8 =	simm.s32 $_tile_overlayer_lowered  }
0x9d: {  	s23 =	simm.s32 $0x1BFF;
	s22 =	sshll.u32 s8, $0x1;
	s5 =	sadd.s32 s6, s20  }
0x9e: {  	s9 =	simm.s32 $0x0;
	s21 =	sshll.u32 s7, $0x1;
	s7 =	sadd.s32 s22, s5  }
0x9f: {  	[timem:s9], [sflag:s23] =	dma.local [hbm:s7], s21  }
0xa0: {  	_ =	swait.ge [sflag:s23], s21  }
0xa1: {  	s6 =	ssub.s32 $0x0, s21;
	[sflag:s23] =	ssyncset.done $0x0  }
0xa2: {  	[sflag:s23] =	ssyncadd.s32 s6;
	_ =	sdelay $0x1  }
0xa3: {  	s24 =	simm.s32 $0x1B8B  }
0xa4: {  	_ =	swait.ge [sflag:s24], $0x1  }
0xa5: {  	[sflag:s24] =	ssyncset.done $0x0  }
0xa6: {  	s25 =	simm.s32 $0x1B8E;
	[sflag:s24] =	ssyncadd.s32 $0xFFFFFFFF  }
0xa7: {  	s26 =	simm.s32 $execute0_lowered;
	[smem:$0x3FD2] =	sst s25  }
0xa8: {  	s6 =	sshll.u32 s26, $0x1;
	_ =	strace $0x80000046;
	[dreg:$0x1] =	wrdreg $0xFFFFFFFF  }
0xa9: {  	s28 =	simm.s32 $_size_execute0_lowered;
	s5 =	sadd.s32 s5, s6;
	[dreg:$0x0] =	wrdreg $0x0  }
0xaa: {  	s6 =	sshll.u32 s28, $0x1;
	[dreg:$0x2] =	wrdreg s5  }
0xab: {  	[dreg:$0x3] =	wrdreg s6  }
0xac: {  	[dreg:$0x4] =	wrdreg $0xC0  }
0xad: {  	_ =	task [dreg:s9], $0x5FFFF  }
0xae: {  	[dreg:$0x1] =	wrdreg $0xFFFFFFFF  }
0xaf: {  	[dreg:$0x0] =	wrdreg $0x60  }
0xb0: {  	[dreg:$0x2] =	wrdreg s2  }
0xb1: {  	[dreg:$0x3] =	wrdreg s19  }
0xb2: {  	[dreg:$0x4] =	wrdreg s4  }
0xb3: {  	[dreg:$0x5] =	wrdreg $0x14FF00  }
0xb4: {  	[dreg:$0x6] =	wrdreg $0x9  }
0xb5: {  	_ =	task.clear_ibuf [dreg:s9], $0x7FFFF;
	_ =	strace $0x90000046  }
0xb6: {  	s29 =	simm.s32 $0x9;
	_ =	strace $0x80000048  }
0xb7: {  	_ =	swait.ge [sflag:s29], $0x1  }
0xb8: {  	[sflag:s29] =	ssyncadd.s32 $0xFFFFFFFF  }
0xb9: {  	_ =	strace $0x90000048  }
0xba: {  	_ =	sfence  }
0xbb: {  	s30 =	sld [smem:$0x0];
	_ =	sdelay $0x2  }
0xbc: {  	s31 =	sshll.u32 s1, $0xD;
	s1 =	sshrl.u32 s1, $0x2  }
0xbd: {  	s3 =	sand.u32 $0x4000, s31;
	s1 =	sadd.s32 s1, s30  }
0xbe: {  	s0 =	sor.u32 s3, s0;
	s1 =	sshll.u32 s1, $0x11  }
0xbf: {  	s0 =	sor.u32 s1, s0  }
0xc0: {  	s0 =	sadd.s32 $0x8F2B, s0  }
0xc1: {  	[sflag:s0] =	ssyncadd.remote.s32 $0x1  }
0xc2: {  	_ =	sfence.sel $0xFFFF  }
0xc3: {  	[dreg:$0x0] =	wrdreg $0xFFFFFFFF;
	(pc) =	sbr.abs _section_cstart, $3  }
0xc4: {  	[dreg:$0x1] =	wrdreg $0xFFFFFFFF  }
0xc5: {  	_ =	task.clear_ibuf [dreg:s9], $0x2FFFF;
	_ =	strace $0x9FFFFFFF  }
0xc6: {  	(tm) =	ssettm $0x7FFFFFFF  }
0xc7: {  	_ =	shalt  }
tec
execute0_lowered:
.L_overlay_start_1:
0x0: {  	(tag) =	ssettag $0x1  }
0x1: {  	s15 =	rddreg [dreg:$0x0]  }
0x2: {  	s1 =	rddreg [dreg:$0x1]  }
0x3: {  	s0 =	rddreg [dreg:$0x2];
	s14 =	stileid.u32  }
0x4: {  	s2 =	rddreg [dreg:$0x3];
	s6 =	smul.u32 $0x271000, s14  }
0x5: {  	s4 =	simm.s32 $0x0;
	s3 =	srdreg.scid;
	s8 =	smul.u32 $0x271, s14  }
0x6: {  	s28 =	simm.s32 $0x4B0;
	s29 =	simm.s32 $0x68B0;
	s13 =	smul.u32 $0x9C4, s14  }
0x7: {  	s30 =	simm.s32 $0x190;
	s31 =	simm.s32 $0xCCB0;
	s9 =	smul.u32 $0x4E20, s14  }
0x8: {  	[smem:$0x7FF] =	sst s4;
	s3 =	sand.u32 $0x1, s3;
	s12 =	smul.u32 $0x27100, s14  }
0x9: {  	s14 =	smul.u32 $0x13880, s14;
	_ =	strace $0x80000047;
	s5 =	ssub.s32 $0x2, s3  }
0xa: {  	s3 =	sshll.u32 s3, $0x6;
	s7 =	sshrl.u32 s5, $0x1;
	s9 =	sshrl.u32 s9, $0x3  }
0xb: {  	s20 =	sshrl.u32 s12, $0x2;
	s21 =	sadd.s32 $0x7D, s8;
	s23 =	sadd.s32 $0xFA, s8  }
0xc: {  	s24 =	sadd.s32 $0x177, s8;
	s8 =	sadd.s32 $0x1F4, s8;
	s12 =	sor.u32 s3, s14  }
0xd: {  	s5 =	ssub.s32 s5, s7;
	s7 =	sor.u32 s3, s6;
	s6 =	sadd.s32 s1, s13  }
0xe: {  	s1 =	sadd.s32 s1, s9;
	s22 =	sshll.u32 s21, $0x6;
	s25 =	sshll.u32 s23, $0x6  }
0xf: {  	s13 =	sshll.u32 s24, $0x6;
	s14 =	sshll.u32 s23, $0x7;
	s10 =	sshrl.u32 s7, $0x3  }
0x10: {  	s11 =	sadd.s32 $0xC800, s7;
	s17 =	sadd.s32 $0x19000, s7;
	s19 =	sadd.s32 $0x32, s1  }
0x11: {  	s1 =	sadd.s32 $0x64, s1;
	s26 =	sadd.s32 s13, s2;
	s13 =	sshll.u32 s8, $0x6  }
0x12: {  	s8 =	sshll.u32 s8, $0x7;
	s23 =	sadd.s32 $0x32000, s7;
	[dreg:$0x7] =	wrdreg s19  }
0x13: {  	s10 =	sadd.s32 s15, s10;
	s16 =	sshrl.u32 s11, $0x3;
	[dreg:$0x9] =	wrdreg s1  }
0x14: {  	s18 =	sshrl.u32 s17, $0x3;
	s19 =	sadd.s32 s22, s2;
	[dreg:$0xd] =	wrdreg s26  }
0x15: {  	s1 =	sshll.u32 s21, $0x7;
	s26 =	sadd.s32 $0x25800, s7;
	[dreg:$0x5] =	wrdreg s10  }
0x16: {  	s22 =	sadd.s32 $0x3E800, s7;
	s7 =	simm.s32 $0x1;
	[dreg:$0x17] =	wrdreg s26  }
0x17: {  	s11 =	simm.s32 $0x11CB0;
	s10 =	sadd.s32 s15, s16;
	[dreg:$0xb] =	wrdreg s19  }
0x18: {  	s9 =	sadd.s32 s15, s18;
	s18 =	sadd.s32 s20, s2;
	[dreg:$0x6] =	wrdreg s10  }
0x19: {  	s16 =	sshll.u32 s24, $0x7;
	s24 =	smax.u32 s5, $0x1;
	[dreg:$0x8] =	wrdreg s9  }
0x1a: {  	s20 =	sadd.s32 s25, s2;
	s1 =	sor.u32 s3, s1;
	[dreg:$0x14] =	wrdreg s24  }
0x1b: {  	s26 =	simm.s32 $0x80;
	s5 =	simm.s32 $0x9;
	[dreg:$0xa] =	wrdreg s18  }
0x1c: {  	s9 =	sshrl.u32 s12, $0x3;
	s12 =	sadd.s32 s13, s2;
	[dreg:$0xc] =	wrdreg s20  }
0x1d: {  	s1 =	sshrl.u32 s1, $0x3;
	[dreg:$0xe] =	wrdreg s12;
	s9 =	sadd.s32 s0, s9  }
0x1e: {  	s10 =	simm.s32 $0x3;
	s1 =	sadd.s32 s0, s1;
	[dreg:$0xf] =	wrdreg s9  }
0x1f: {  	s24 =	simm.s32 $0x108B0;
	s13 =	simm.s32 $0x0;
	[dreg:$0x10] =	wrdreg s1  }
0x20: {  	s1 =	sor.u32 s3, s14;
	s9 =	sor.u32 s3, s16;
	s3 =	sor.u32 s3, s8  }
0x21: {  	s8 =	simm.s32 $0x4;
	s16 =	simm.s32 $0x6;
	s1 =	sshrl.u32 s1, $0x3  }
0x22: {  	s9 =	sshrl.u32 s9, $0x3;
	s21 =	sshrl.u32 s3, $0x3;
	s1 =	sadd.s32 s0, s1  }
0x23: {  	s3 =	simm.s32 $0x2D0;
	s17 =	sadd.s32 s0, s9;
	[dreg:$0x11] =	wrdreg s1  }
0x24: {  	s0 =	sadd.s32 s0, s21;
	s9 =	simm.s32 $0x50;
	[dreg:$0x12] =	wrdreg s17  }
.Ltmp0:
0x25: {  	s21 =	simm.s32 $0x410;
	[dreg:$0x13] =	wrdreg s0;
	(pc) =	sbr.rel .LBB2_1-.Ltmp0, $4  }
0x26: {  	s0 =	sshrl.u32 s22, $0x3;
	s1 =	sshrl.u32 s23, $0x3;
	s22 =	simm.s32 $0x2  }
0x27: {  	s23 =	simm.s32 $0x5;
	s17 =	simm.s32 $0x460;
	s0 =	sadd.s32 s0, s15  }
0x28: {  	s25 =	sadd.s32 s1, s15;
	s1 =	simm.s32 $0xB8B0;
	[dreg:$0x15] =	wrdreg s0  }
0x29: {  	v0 =	vimm.f32 $0.0e+00;
	[dreg:$0x16] =	wrdreg s25;
	s25 =	simm.s32 $0x40;
	s0 =	simm.s32 $0x320  }
.LBB2_6:
0x2a: {  	_ =	swait.ge [sflag:s7], $0x6400  }
0x2b: {  	[sflag:s7] =	ssyncset.done $0x0  }
0x2c: {  	[sflag:s7] =	ssyncadd.s32 $0xFFFF9C00  }
0x2d: {  	_ =	swait.ge [sflag:s8], $0x190  }
0x2e: {  	[sflag:s8] =	ssyncset.done $0x0  }
0x2f: {  	[sflag:s8] =	ssyncadd.s32 $0xFFFFFE70  }
0x30: {  	[spmem:s2] =	stream.indirect.scatter.add.f32 [tilespmem:s28], [sflag:$0x9], $0x40, s4, s9, $0xb8;
	[tilespmem:$0x1EC30] =	vst v63  }
0x31: {  	_ =	swait.ge [sflag:s5], $0x1400  }
0x32: {  	[sflag:s5] =	ssyncset.done $0x0  }
0x33: {  	s12 =	simm.s32 $0x18B0;
	[sflag:s5] =	ssyncadd.s32 $0xFFFFEC00  }
0x34: {  	[spmem:s2] =	stream.indirect.scatter.add.f32 [tilespmem:s12], [sflag:$0x9], $0x40, s9, s9, $0xb8;
	[tilespmem:$0x1EC30] =	vst v63  }
0x35: {  	_ =	swait.ge [sflag:s5], $0x1400  }
0x36: {  	[sflag:s5] =	ssyncset.done $0x0  }
0x37: {  	s20 =	simm.s32 $0xA0;
	s13 =	simm.s32 $0x2CB0;
	[sflag:s5] =	ssyncadd.s32 $0xFFFFEC00  }
0x38: {  	[spmem:s2] =	stream.indirect.scatter.add.f32 [tilespmem:s13], [sflag:$0x9], $0x40, s20, s9, $0xb8;
	[tilespmem:$0x1EC30] =	vst v63  }
0x39: {  	_ =	swait.ge [sflag:s5], $0x1400  }
0x3a: {  	[sflag:s5] =	ssyncset.done $0x0  }
0x3b: {  	s14 =	simm.s32 $0x40B0;
	s13 =	simm.s32 $0xF0;
	[sflag:s5] =	ssyncadd.s32 $0xFFFFEC00  }
0x3c: {  	[spmem:s2] =	stream.indirect.scatter.add.f32 [tilespmem:s14], [sflag:$0x9], $0x40, s13, s9, $0xb8;
	[tilespmem:$0x1EC30] =	vst v63  }
0x3d: {  	_ =	swait.ge [sflag:s5], $0x1400  }
0x3e: {  	[sflag:s5] =	ssyncset.done $0x0  }
0x3f: {  	s15 =	simm.s32 $0x140;
	s18 =	simm.s32 $0x54B0;
	[sflag:s5] =	ssyncadd.s32 $0xFFFFEC00  }
0x40: {  	[spmem:s2] =	stream.indirect.scatter.add.f32 [tilespmem:s18], [sflag:$0x9], $0x40, s15, s9, $0xb8;
	[tilespmem:$0x1EC30] =	vst v63  }
0x41: {  	_ =	swait.ge [sflag:s5], $0x1400  }
0x42: {  	[sflag:s5] =	ssyncset.done $0x0  }
0x43: {  	[sflag:s5] =	ssyncadd.s32 $0xFFFFEC00  }
0x44: {  	_ =	swait.ge [sflag:s22], $0x6400  }
0x45: {  	[sflag:s22] =	ssyncset.done $0x0  }
0x46: {  	[sflag:s22] =	ssyncadd.s32 $0xFFFF9C00  }
0x47: {  	_ =	swait.ge [sflag:s23], $0x190  }
0x48: {  	[sflag:s23] =	ssyncset.done $0x0  }
0x49: {  	[sflag:s23] =	ssyncadd.s32 $0xFFFFFE70  }
0x4a: {  	[spmem:s2] =	stream.indirect.scatter.add.f32 [tilespmem:s29], [sflag:$0x9], $0x40, s30, s9, $0xb8;
	[tilespmem:$0x1EC30] =	vst v63  }
0x4b: {  	_ =	swait.ge [sflag:s5], $0x1400  }
0x4c: {  	[sflag:s5] =	ssyncset.done $0x0  }
0x4d: {  	s19 =	simm.s32 $0x1E0;
	s20 =	simm.s32 $0x7CB0;
	[sflag:s5] =	ssyncadd.s32 $0xFFFFEC00  }
0x4e: {  	[spmem:s2] =	stream.indirect.scatter.add.f32 [tilespmem:s20], [sflag:$0x9], $0x40, s19, s9, $0xb8;
	[tilespmem:$0x1EC30] =	vst v63  }
0x4f: {  	_ =	swait.ge [sflag:s5], $0x1400  }
0x50: {  	[sflag:s5] =	ssyncset.done $0x0  }
0x51: {  	s14 =	simm.s32 $0x230;
	s15 =	simm.s32 $0x90B0;
	[sflag:s5] =	ssyncadd.s32 $0xFFFFEC00  }
0x52: {  	[spmem:s2] =	stream.indirect.scatter.add.f32 [tilespmem:s15], [sflag:$0x9], $0x40, s14, s9, $0xb8;
	[tilespmem:$0x1EC30] =	vst v63  }
0x53: {  	_ =	swait.ge [sflag:s5], $0x1400  }
0x54: {  	[sflag:s5] =	ssyncset.done $0x0  }
0x55: {  	s18 =	simm.s32 $0x280;
	s19 =	simm.s32 $0xA4B0;
	[sflag:s5] =	ssyncadd.s32 $0xFFFFEC00  }
0x56: {  	[spmem:s2] =	stream.indirect.scatter.add.f32 [tilespmem:s19], [sflag:$0x9], $0x40, s18, s9, $0xb8;
	[tilespmem:$0x1EC30] =	vst v63  }
0x57: {  	_ =	swait.ge [sflag:s5], $0x1400  }
0x58: {  	[sflag:s5] =	ssyncset.done $0x0  }
0x59: {  	[sflag:s5] =	ssyncadd.s32 $0xFFFFEC00  }
0x5a: {  	[spmem:s2] =	stream.indirect.scatter.add.f32 [tilespmem:s1], [sflag:$0x9], $0x40, s3, s9, $0xb8;
	[tilespmem:$0x1EC30] =	vst v63  }
0x5b: {  	_ =	swait.ge [sflag:s5], $0x1400  }
0x5c: {  	[sflag:s5] =	ssyncset.done $0x0  }
0x5d: {  	[sflag:s5] =	ssyncadd.s32 $0xFFFFEC00  }
0x5e: {  	[bflag:$0x0] =	sbarrier.arrive $0xFFFF  }
0x5f: {  	s13 =	simm.s32 $0x130B0;
	s14 =	simm.s32 $0x7;
	s18 =	rddreg [dreg:$0xa]  }
0x60: {  	[tilespmem:s13], [sflag:$0x7] =	stream.linear.gather [spmem:s18], $0x1F40, $0x38;
	[tilespmem:$0x1EC30] =	vst v63  }
0x61: {  	_ =	swait.ge [sflag:s14], $0x1F40  }
0x62: {  	[sflag:s14] =	ssyncset.done $0x0  }
0x63: {  	s19 =	rddreg [dreg:$0xb];
	[sflag:s14] =	ssyncadd.s32 $0xFFFFE0C0  }
0x64: {  	[tilespmem:s28], [sflag:$0x8] =	stream.linear.gather [spmem:s19], $0x1F40, $0x38;
	[tilespmem:$0x1EC30] =	vst v63  }
0x65: {  	s20 =	rddreg [dreg:$0xf]  }
0x66: {  	[hbm4b:s20+s25] =	stream.strided.scatter [tilespmem:s13], [sflag:$0x9], $0x1F40, s26, s25, $0x38;
	[tilespmem:$0x1EC30] =	vst v63  }
0x67: {  	_ =	swait.ge [sflag:s5], $0x1F40  }
0x68: {  	[sflag:s5] =	ssyncset.done $0x0  }
0x69: {  	s15 =	simm.s32 $0x8;
	[sflag:s5] =	ssyncadd.s32 $0xFFFFE0C0  }
0x6a: {  	_ =	swait.ge [sflag:s15], $0x1F40  }
0x6b: {  	[sflag:s15] =	ssyncset.done $0x0  }
0x6c: {  	s20 =	rddreg [dreg:$0xc];
	[sflag:s15] =	ssyncadd.s32 $0xFFFFE0C0  }
0x6d: {  	[tilespmem:s13], [sflag:$0x7] =	stream.linear.gather [spmem:s20], $0x1F40, $0x38;
	[tilespmem:$0x1EC30] =	vst v63  }
0x6e: {  	s12 =	rddreg [dreg:$0x10]  }
0x6f: {  	[hbm4b:s12+s25] =	stream.strided.scatter [tilespmem:s28], [sflag:$0x9], $0x1F40, s26, s25, $0x38;
	[tilespmem:$0x1EC30] =	vst v63  }
0x70: {  	_ =	swait.ge [sflag:s5], $0x1F40  }
0x71: {  	[sflag:s5] =	ssyncset.done $0x0  }
0x72: {  	[sflag:s5] =	ssyncadd.s32 $0xFFFFE0C0  }
0x73: {  	_ =	swait.ge [sflag:s14], $0x1F40  }
0x74: {  	[sflag:s14] =	ssyncset.done $0x0  }
0x75: {  	s12 =	rddreg [dreg:$0xd];
	[sflag:s14] =	ssyncadd.s32 $0xFFFFE0C0  }
0x76: {  	[tilespmem:s28], [sflag:$0x8] =	stream.linear.gather [spmem:s12], $0x1F40, $0x38;
	[tilespmem:$0x1EC30] =	vst v63  }
0x77: {  	s12 =	rddreg [dreg:$0x11]  }
0x78: {  	[hbm4b:s12+s25] =	stream.strided.scatter [tilespmem:s13], [sflag:$0x9], $0x1F40, s26, s25, $0x38;
	[tilespmem:$0x1EC30] =	vst v63  }
0x79: {  	_ =	swait.ge [sflag:s5], $0x1F40  }
0x7a: {  	[sflag:s5] =	ssyncset.done $0x0  }
0x7b: {  	[sflag:s5] =	ssyncadd.s32 $0xFFFFE0C0  }
0x7c: {  	_ =	swait.ge [sflag:s15], $0x1F40  }
0x7d: {  	[sflag:s15] =	ssyncset.done $0x0  }
0x7e: {  	[sflag:s15] =	ssyncadd.s32 $0xFFFFE0C0;
	s15 =	rddreg [dreg:$0xe]  }
0x7f: {  	[tilespmem:s13], [sflag:$0x7] =	stream.linear.gather [spmem:s15], $0x1F40, $0x38;
	[tilespmem:$0x1EC30] =	vst v63  }
0x80: {  	s15 =	rddreg [dreg:$0x12]  }
0x81: {  	[hbm4b:s15+s25] =	stream.strided.scatter [tilespmem:s28], [sflag:$0x9], $0x1F40, s26, s25, $0x38;
	[tilespmem:$0x1EC30] =	vst v63  }
0x82: {  	_ =	swait.ge [sflag:s5], $0x1F40  }
0x83: {  	[sflag:s5] =	ssyncset.done $0x0  }
0x84: {  	[sflag:s5] =	ssyncadd.s32 $0xFFFFE0C0  }
0x85: {  	_ =	swait.ge [sflag:s14], $0x1F40  }
0x86: {  	[sflag:s14] =	ssyncset.done $0x0  }
0x87: {  	s15 =	rddreg [dreg:$0x13];
	[sflag:s14] =	ssyncadd.s32 $0xFFFFE0C0  }
0x88: {  	[hbm4b:s15+s25] =	stream.strided.scatter [tilespmem:s13], [sflag:$0x9], $0x1F40, s26, s25, $0x38;
	[tilespmem:$0x1EC30] =	vst v63  }
0x89: {  	_ =	swait.ge [sflag:s5], $0x1F40  }
0x8a: {  	s14 =	rddreg [dreg:$0x18]  }
0x8b: {  	s15 =	rddreg [dreg:$0x14];
	s13 =	sadd.s32 $0x1, s14  }
0x8c: {  	p0 =	sne.s32 s13, s15  }
.Ltmp1:
0x8d: {  	_ = 	snop;
	(pc) =	sbr.rel @!p0 .LBB2_7-.Ltmp1, $3  }
0x8e: {  	_ =	sdelay $0x1  }
0x8f: {  	[sflag:s5] =	ssyncset.done $0x0  }
0x90: {  	[sflag:s5] =	ssyncadd.s32 $0xFFFFE0C0  }
.LBB2_1:
0x91: {  	s12 =	rddreg [dreg:$0x5]  }
0x92: {  	[tilespmem:s28], [sflag:$0x1] =	stream.strided.gather [hbm4b:s12+s25], $0x6400, s26, s25, $0x38;
	[tilespmem:$0x1EC30] =	vst v63  }
0x93: {  	[dreg:$0x18] =	wrdreg s13  }
0x94: {  	[tilespmem:s4], [sflag:$0x4] =	stream.linear.gather [hbm4b:s6+s4], $0x190, $0x38;
	[tilespmem:$0x1EC30] =	vst v63  }
0x95: {  	s15 =	rddreg [dreg:$0x6]  }
0x96: {  	[tilespmem:s29], [sflag:$0x2] =	stream.strided.gather [hbm4b:s15+s25], $0x6400, s26, s25, $0x38;
	[tilespmem:$0x1EC30] =	vst v63  }
0x97: {  	s13 =	rddreg [dreg:$0x7]  }
0x98: {  	[tilespmem:s30], [sflag:$0x5] =	stream.linear.gather [hbm4b:s13+s4], $0x190, $0x38;
	[tilespmem:$0x1EC30] =	vst v63  }
0x99: {  	s14 =	rddreg [dreg:$0x8]  }
0x9a: {  	[tilespmem:s31], [sflag:$0x3] =	stream.strided.gather [hbm4b:s14+s25], $0x6400, s26, s25, $0x38;
	[tilespmem:$0x1EC30] =	vst v63  }
0x9b: {  	s12 =	simm.s32 $0x0;
	s15 =	rddreg [dreg:$0x9];
	s13 =	simm.s32 $0x100  }
0x9c: {  	[tilespmem:s0], [sflag:$0x6] =	stream.linear.gather [hbm4b:s15+s4], $0x190, $0x38;
	[tilespmem:$0x1EC30] =	vst v63  }
.LBB2_2:
0x9d: {  	p0 =	sne.s32 s13, $0x7C00;
	[tilespmem:s12+$0x130E0] =	vst v0;
	s14 =	smov.u32 s13;
	s13 =	sadd.s32 $0x100, s13  }
.Ltmp2:
0x9e: {  	[tilespmem:s12+$0x130D0] =	vst v0;
	(pc) =	sbr.rel @p0 .LBB2_2-.Ltmp2, $3  }
0x9f: {  	[tilespmem:s12+$0x130B0] =	vst v0  }
0xa0: {  	[tilespmem:s12+$0x130C0] =	vst v0;
	_ =	sdelay $0x1  }
0xa1: {  	s12 =	sshra.s32 s14, $0x2  }
0xa2: {  	[tilespmem:s12+$0x130E0] =	vst v0  }
0xa3: {  	[tilespmem:s12+$0x130D0] =	vst v0  }
0xa4: {  	[tilespmem:s12+$0x130B0] =	vst v0  }
0xa5: {  	[tilespmem:s12+$0x130C0] =	vst v0;
	s13 =	simm.s32 $0x130B0  }
0xa6: {  	[spmem:s18] =	stream.linear.scatter [tilespmem:s13], [sflag:$0x9], $0x1F40, $0x38;
	[tilespmem:$0x1EC30] =	vst v63  }
0xa7: {  	_ =	swait.ge [sflag:s5], $0x1F40  }
0xa8: {  	[sflag:s5] =	ssyncset.done $0x0  }
0xa9: {  	[sflag:s5] =	ssyncadd.s32 $0xFFFFE0C0  }
0xaa: {  	[spmem:s19] =	stream.linear.scatter [tilespmem:s13], [sflag:$0x9], $0x1F40, $0x38;
	[tilespmem:$0x1EC30] =	vst v63  }
0xab: {  	_ =	swait.ge [sflag:s5], $0x1F40  }
0xac: {  	[sflag:s5] =	ssyncset.done $0x0  }
0xad: {  	[sflag:s5] =	ssyncadd.s32 $0xFFFFE0C0  }
0xae: {  	[spmem:s20] =	stream.linear.scatter [tilespmem:s13], [sflag:$0x9], $0x1F40, $0x38;
	[tilespmem:$0x1EC30] =	vst v63  }
0xaf: {  	_ =	swait.ge [sflag:s5], $0x1F40  }
0xb0: {  	[sflag:s5] =	ssyncset.done $0x0  }
0xb1: {  	s19 =	rddreg [dreg:$0xd];
	[sflag:s5] =	ssyncadd.s32 $0xFFFFE0C0  }
0xb2: {  	[spmem:s19] =	stream.linear.scatter [tilespmem:s13], [sflag:$0x9], $0x1F40, $0x38;
	[tilespmem:$0x1EC30] =	vst v63  }
0xb3: {  	_ =	swait.ge [sflag:s5], $0x1F40  }
0xb4: {  	[sflag:s5] =	ssyncset.done $0x0  }
0xb5: {  	s20 =	rddreg [dreg:$0xe];
	[sflag:s5] =	ssyncadd.s32 $0xFFFFE0C0  }
0xb6: {  	[spmem:s20] =	stream.linear.scatter [tilespmem:s13], [sflag:$0x9], $0x1F40, $0x38;
	[tilespmem:$0x1EC30] =	vst v63  }
0xb7: {  	_ =	swait.ge [sflag:s5], $0x1F40  }
0xb8: {  	[sflag:s5] =	ssyncset.done $0x0  }
0xb9: {  	[sflag:s5] =	ssyncadd.s32 $0xFFFFE0C0  }
0xba: {  	[bflag:$0x0] =	sbarrier.arrive $0xFFFF  }
0xbb: {  	s12 =	rddreg [dreg:$0x17]  }
0xbc: {  	s19 =	rddreg [dreg:$0x16]  }
0xbd: {  	s18 =	simm.s32 $0x0;
	s13 =	rddreg [dreg:$0x15]  }
.LBB2_4:
0xbe: {  	_ =	swait.ge [sflag:s7], $0x6400  }
0xbf: {  	[sflag:s7] =	ssyncset.done $0x0  }
0xc0: {  	[sflag:s7] =	ssyncadd.s32 $0xFFFF9C00  }
0xc1: {  	_ =	swait.ge [sflag:s8], $0x190  }
0xc2: {  	[sflag:s8] =	ssyncset.done $0x0  }
0xc3: {  	[sflag:s8] =	ssyncadd.s32 $0xFFFFFE70  }
0xc4: {  	[spmem:s2] =	stream.indirect.scatter.add.f32 [tilespmem:s28], [sflag:$0x9], $0x40, s4, s9, $0xb8;
	[tilespmem:$0x1EC30] =	vst v63  }
0xc5: {  	_ =	swait.ge [sflag:s5], $0x1400  }
0xc6: {  	[sflag:s5] =	ssyncset.done $0x0  }
0xc7: {  	s14 =	simm.s32 $0x18B0;
	[sflag:s5] =	ssyncadd.s32 $0xFFFFEC00  }
0xc8: {  	[spmem:s2] =	stream.indirect.scatter.add.f32 [tilespmem:s14], [sflag:$0x9], $0x40, s9, s9, $0xb8;
	[tilespmem:$0x1EC30] =	vst v63  }
0xc9: {  	_ =	swait.ge [sflag:s5], $0x1400  }
0xca: {  	[sflag:s5] =	ssyncset.done $0x0  }
0xcb: {  	s15 =	simm.s32 $0xA0;
	s20 =	simm.s32 $0x2CB0;
	[sflag:s5] =	ssyncadd.s32 $0xFFFFEC00  }
0xcc: {  	[spmem:s2] =	stream.indirect.scatter.add.f32 [tilespmem:s20], [sflag:$0x9], $0x40, s15, s9, $0xb8;
	[tilespmem:$0x1EC30] =	vst v63  }
0xcd: {  	_ =	swait.ge [sflag:s5], $0x1400  }
0xce: {  	[sflag:s5] =	ssyncset.done $0x0  }
0xcf: {  	s20 =	simm.s32 $0xF0;
	s15 =	simm.s32 $0x40B0;
	[sflag:s5] =	ssyncadd.s32 $0xFFFFEC00  }
0xd0: {  	[spmem:s2] =	stream.indirect.scatter.add.f32 [tilespmem:s15], [sflag:$0x9], $0x40, s20, s9, $0xb8;
	[tilespmem:$0x1EC30] =	vst v63  }
0xd1: {  	_ =	swait.ge [sflag:s5], $0x1400  }
0xd2: {  	[sflag:s5] =	ssyncset.done $0x0  }
0xd3: {  	s20 =	simm.s32 $0x140;
	s15 =	simm.s32 $0x54B0;
	[sflag:s5] =	ssyncadd.s32 $0xFFFFEC00  }
0xd4: {  	[spmem:s2] =	stream.indirect.scatter.add.f32 [tilespmem:s15], [sflag:$0x9], $0x40, s20, s9, $0xb8;
	[tilespmem:$0x1EC30] =	vst v63  }
0xd5: {  	_ =	swait.ge [sflag:s5], $0x1400  }
0xd6: {  	[sflag:s5] =	ssyncset.done $0x0  }
0xd7: {  	[sflag:s5] =	ssyncadd.s32 $0xFFFFEC00  }
0xd8: {  	s20 =	sshrl.u32 s12, $0x3;
	s15 =	rddreg [dreg:$0x0]  }
0xd9: {  	s14 =	sadd.s32 s15, s20  }
0xda: {  	[tilespmem:s28], [sflag:$0x1] =	stream.strided.gather [hbm4b:s14+s25], $0x6400, s26, s25, $0x38;
	[tilespmem:$0x1EC30] =	vst v63  }
0xdb: {  	s14 =	sadd.s32 s18, s6  }
0xdc: {  	s15 =	sadd.s32 $0x96, s14  }
0xdd: {  	[tilespmem:s4], [sflag:$0x4] =	stream.linear.gather [hbm4b:s15+s4], $0x190, $0x38;
	[tilespmem:$0x1EC30] =	vst v63  }
0xde: {  	_ =	swait.ge [sflag:s22], $0x6400  }
0xdf: {  	[sflag:s22] =	ssyncset.done $0x0  }
0xe0: {  	[sflag:s22] =	ssyncadd.s32 $0xFFFF9C00  }
0xe1: {  	_ =	swait.ge [sflag:s23], $0x190  }
0xe2: {  	[sflag:s23] =	ssyncset.done $0x0  }
0xe3: {  	[sflag:s23] =	ssyncadd.s32 $0xFFFFFE70  }
0xe4: {  	[spmem:s2] =	stream.indirect.scatter.add.f32 [tilespmem:s29], [sflag:$0x9], $0x40, s30, s9, $0xb8;
	[tilespmem:$0x1EC30] =	vst v63  }
0xe5: {  	_ =	swait.ge [sflag:s5], $0x1400  }
0xe6: {  	[sflag:s5] =	ssyncset.done $0x0  }
0xe7: {  	s20 =	simm.s32 $0x1E0;
	s15 =	simm.s32 $0x7CB0;
	[sflag:s5] =	ssyncadd.s32 $0xFFFFEC00  }
0xe8: {  	[spmem:s2] =	stream.indirect.scatter.add.f32 [tilespmem:s15], [sflag:$0x9], $0x40, s20, s9, $0xb8;
	[tilespmem:$0x1EC30] =	vst v63  }
0xe9: {  	_ =	swait.ge [sflag:s5], $0x1400  }
0xea: {  	[sflag:s5] =	ssyncset.done $0x0  }
0xeb: {  	s15 =	simm.s32 $0x230;
	s20 =	simm.s32 $0x90B0;
	[sflag:s5] =	ssyncadd.s32 $0xFFFFEC00  }
0xec: {  	[spmem:s2] =	stream.indirect.scatter.add.f32 [tilespmem:s20], [sflag:$0x9], $0x40, s15, s9, $0xb8;
	[tilespmem:$0x1EC30] =	vst v63  }
0xed: {  	_ =	swait.ge [sflag:s5], $0x1400  }
0xee: {  	[sflag:s5] =	ssyncset.done $0x0  }
0xef: {  	s15 =	simm.s32 $0x280;
	s20 =	simm.s32 $0xA4B0;
	[sflag:s5] =	ssyncadd.s32 $0xFFFFEC00  }
0xf0: {  	[spmem:s2] =	stream.indirect.scatter.add.f32 [tilespmem:s20], [sflag:$0x9], $0x40, s15, s9, $0xb8;
	[tilespmem:$0x1EC30] =	vst v63  }
0xf1: {  	_ =	swait.ge [sflag:s5], $0x1400  }
0xf2: {  	[sflag:s5] =	ssyncset.done $0x0  }
0xf3: {  	[sflag:s5] =	ssyncadd.s32 $0xFFFFEC00  }
0xf4: {  	[spmem:s2] =	stream.indirect.scatter.add.f32 [tilespmem:s1], [sflag:$0x9], $0x40, s3, s9, $0xb8;
	[tilespmem:$0x1EC30] =	vst v63  }
0xf5: {  	_ =	swait.ge [sflag:s5], $0x1400  }
0xf6: {  	[sflag:s5] =	ssyncset.done $0x0  }
0xf7: {  	[sflag:s5] =	ssyncadd.s32 $0xFFFFEC00  }
0xf8: {  	[tilespmem:s29], [sflag:$0x2] =	stream.strided.gather [hbm4b:s19+s25], $0x6400, s26, s25, $0x38;
	[tilespmem:$0x1EC30] =	vst v63  }
0xf9: {  	s15 =	sadd.s32 $0xC8, s14  }
0xfa: {  	[tilespmem:s30], [sflag:$0x5] =	stream.linear.gather [hbm4b:s15+s4], $0x190, $0x38;
	[tilespmem:$0x1EC30] =	vst v63  }
0xfb: {  	_ =	swait.ge [sflag:s10], $0x6400  }
0xfc: {  	[sflag:s10] =	ssyncset.done $0x0  }
0xfd: {  	[sflag:s10] =	ssyncadd.s32 $0xFFFF9C00  }
0xfe: {  	_ =	swait.ge [sflag:s16], $0x190  }
0xff: {  	[sflag:s16] =	ssyncset.done $0x0  }
0x100: {  	[sflag:s16] =	ssyncadd.s32 $0xFFFFFE70  }
0x101: {  	[spmem:s2] =	stream.indirect.scatter.add.f32 [tilespmem:s31], [sflag:$0x9], $0x40, s0, s9, $0xb8;
	[tilespmem:$0x1EC30] =	vst v63  }
0x102: {  	_ =	swait.ge [sflag:s5], $0x1400  }
0x103: {  	[sflag:s5] =	ssyncset.done $0x0  }
0x104: {  	s20 =	simm.s32 $0xE0B0;
	s15 =	simm.s32 $0x370;
	[sflag:s5] =	ssyncadd.s32 $0xFFFFEC00  }
0x105: {  	[spmem:s2] =	stream.indirect.scatter.add.f32 [tilespmem:s20], [sflag:$0x9], $0x40, s15, s9, $0xb8;
	[tilespmem:$0x1EC30] =	vst v63  }
0x106: {  	_ =	swait.ge [sflag:s5], $0x1400  }
0x107: {  	[sflag:s5] =	ssyncset.done $0x0  }
0x108: {  	s15 =	simm.s32 $0x3C0;
	s20 =	simm.s32 $0xF4B0;
	[sflag:s5] =	ssyncadd.s32 $0xFFFFEC00  }
0x109: {  	[spmem:s2] =	stream.indirect.scatter.add.f32 [tilespmem:s20], [sflag:$0x9], $0x40, s15, s9, $0xb8;
	[tilespmem:$0x1EC30] =	vst v63  }
0x10a: {  	_ =	swait.ge [sflag:s5], $0x1400  }
0x10b: {  	[sflag:s5] =	ssyncset.done $0x0  }
0x10c: {  	[sflag:s5] =	ssyncadd.s32 $0xFFFFEC00  }
0x10d: {  	[spmem:s2] =	stream.indirect.scatter.add.f32 [tilespmem:s24], [sflag:$0x9], $0x40, s21, s9, $0xb8;
	[tilespmem:$0x1EC30] =	vst v63  }
0x10e: {  	_ =	swait.ge [sflag:s5], $0x1400  }
0x10f: {  	p0 =	seq.s32 s18, $0x8CA;
	[sflag:s5] =	ssyncset.done $0x0  }
.Ltmp3:
0x110: {  	[sflag:s5] =	ssyncadd.s32 $0xFFFFEC00;
	(pc) =	sbr.rel @p0 .LBB2_6-.Ltmp3, $4  }
0x111: {  	[spmem:s2] =	stream.indirect.scatter.add.f32 [tilespmem:s11], [sflag:$0x9], $0x40, s17, s9, $0xb8;
	[tilespmem:$0x1EC30] =	vst v63  }
0x112: {  	_ =	swait.ge [sflag:s5], $0x1400  }
0x113: {  	[sflag:s5] =	ssyncset.done $0x0  }
0x114: {  	[sflag:s5] =	ssyncadd.s32 $0xFFFFEC00  }
.Ltmp4:
0x115: {  	(pc) =	sbr.rel .LBB2_4-.Ltmp4, $4  }
0x116: {  	[tilespmem:s31], [sflag:$0x3] =	stream.strided.gather [hbm4b:s13+s25], $0x6400, s26, s25, $0x38;
	[tilespmem:$0x1EC30] =	vst v63  }
0x117: {  	s14 =	sadd.s32 $0xFA, s14;
	s13 =	sadd.s32 $0x4B00, s13  }
0x118: {  	s18 =	sadd.s32 $0x96, s18;
	s19 =	sadd.s32 $0x4B00, s19;
	s12 =	sadd.s32 $0x25800, s12  }
0x119: {  	[tilespmem:s0], [sflag:$0x6] =	stream.linear.gather [hbm4b:s14+s4], $0x190, $0x38;
	[tilespmem:$0x1EC30] =	vst v63  }
.LBB2_7:
0x11a: {  	_ =	sfence.sel $0x180000  }
0x11b: {  	[bflag:$0x0] =	sbarrier.arrive $0xFFFF  }
0x11c: {  	_ =	strace $0x90000047  }
0x11d: {  	s0 =	stileid.u32;
	[bflag:$0x2] =	sbarrier.arrive $0xFFFF  }
0x11e: {  	p0 =	sne.s32 s0, $0x0;
	s0 =	rddreg [dreg:$0x4]  }
0x11f: {  	s0 =	sadd.s32 @!p0 $0x100000, s0  }
0x120: {  	[sflag:s0] =	ssyncadd.tile.s32 @!p0 $0x1;
	_ =	shalt  }
.Lfunc_end2:
_tile_overlayer_lowered:
.L_overlay_start_2:
0x121: {  	(tag) =	ssettag $0x2  }
0x122: {  	s0 =	rddreg [dreg:$0x0];
	s2 =	stileid.u32  }
0x123: {  	s1 =	rddreg [dreg:$0x1];
	p0 =	sne.s32 s2, $0x0  }
0x124: {  	s3 =	rddreg [dreg:$0x2];
	[bflag:$0x3] =	sbarrier.arrive $0xFFFF;
	s2 =	simm.s32 @!p0 $0x1C09  }
0x125: {  	[timem:s3], [sflag:s2] =	dma.local @!p0 [hbm:s0], s1  }
0x126: {  	s0 =	simm.s32 @!p0 $0x9  }
0x127: {  	_ =	swait.ge @!p0 [sflag:s0], s1  }
0x128: {  	s1 =	ssub.s32 @!p0 $0x0, s1;
	[sflag:s0] =	ssyncset.done @!p0 $0x0  }
0x129: {  	[sflag:s0] =	ssyncadd.s32 @!p0 s1  }
0x12a: {  	[bflag:$0x3] =	sbarrier.arrive $0xFFFF  }
0x12b: {  	_ =	shalt  }

</sc_bundles>
